<compile_context>
chip_gen: v7x
topology: tpu7x:2x2x1
jax: 0.10.2.dev20260603
libtpu: 0.0.44.dev20260713+nightly
codegen_flags: <defaults>
</compile_context>

<pallas_src>
import functools

import jax
import jax.numpy as jnp
from jax import lax
from jax.experimental import pallas as pl
from jax.experimental.pallas import tpu as pltpu
from jax.experimental.pallas import tpu_sc as plsc

N = 10000
D = 128
H = 128
C = 2
E = 320000

NC = 2
NS = 16
NW = NC * NS

NPAD = 10240
ROWS_PER_TILE = NPAD // NS
CHUNK = 128
CHUNKS = 79
EPT = CHUNKS * CHUNK
EPAD = EPT * NW
DCHUNKS = 80
EPAD2 = DCHUNKS * CHUNK * NW
WCH = ROWS_PER_TILE // CHUNK


def _sc_mesh():
    return plsc.VectorSubcoreMesh(core_axis_name="c", subcore_axis_name="s",
                                  num_cores=NC, num_subcores=NS)


def _deg_body(dst_hbm, ones_hbm, z640_hbm, degp_hbm,
              deg_sh, idx_v, ones_v, z_v, sem, ssem):
    c = lax.axis_index("c")
    s = lax.axis_index("s")
    w = c * NS + s
    base = s * ROWS_PER_TILE
    pltpu.sync_copy(z640_hbm, z_v)
    pltpu.sync_copy(z_v, deg_sh.at[pl.ds(base, ROWS_PER_TILE)])
    pltpu.sync_copy(ones_hbm, ones_v)
    pltpu.sync_copy(dst_hbm.at[w], idx_v)
    plsc.subcore_barrier()

    def group(g, _):
        def fire(b, carry):
            pltpu.async_copy(ones_v, deg_sh.at[idx_v.at[g * 8 + b]], ssem,
                             add=True)
            return carry

        lax.fori_loop(0, 8, fire, 0)

        def drain(b, carry):
            pltpu.make_async_copy(ones_v, deg_sh.at[idx_v.at[g * 8 + b]],
                                  ssem).wait()
            return carry

        lax.fori_loop(0, 8, drain, 0)
        return _

    lax.fori_loop(0, DCHUNKS // 8, group, 0)
    plsc.subcore_barrier()
    pltpu.sync_copy(deg_sh.at[pl.ds(base, ROWS_PER_TILE)], z_v)
    pltpu.sync_copy(z_v, degp_hbm.at[pl.ds(c * NPAD + base, ROWS_PER_TILE)])


def _run_deg(dst3, ones128, z640):
    k = pl.kernel(
        _deg_body,
        out_type=jax.ShapeDtypeStruct((NC * NPAD,), jnp.float32),
        mesh=_sc_mesh(),
        scratch_types=[
            pltpu.VMEM_SHARED((NPAD,), jnp.float32),
            pltpu.VMEM((DCHUNKS, CHUNK), jnp.int32),
            pltpu.VMEM((CHUNK,), jnp.float32),
            pltpu.VMEM((ROWS_PER_TILE,), jnp.float32),
            pltpu.SemaphoreType.DMA,
            pltpu.SemaphoreType.DMA,
        ],
    )
    return k(dst3, ones128, z640)


def _msg_body(hs_hbm, dinv_hbm, src3_hbm, dst3_hbm, z2d_hbm,
              accp_hbm, cp_hbm,
              acc_sh, cacc_sh,
              src_idx, dst_idx, rows_v, dvals, sem, sem2):
    c = lax.axis_index("c")
    s = lax.axis_index("s")
    w = c * NS + s
    base = s * ROWS_PER_TILE

    pltpu.sync_copy(src3_hbm.at[w], src_idx)
    pltpu.sync_copy(dst3_hbm.at[w], dst_idx)
    pltpu.sync_copy(z2d_hbm, rows_v)
    for k in range(8):
        dvals[pl.ds(k * 16, 16)] = jnp.zeros((16,), jnp.float32)
    for k in range(WCH):
        pltpu.sync_copy(rows_v, acc_sh.at[pl.ds(base + k * CHUNK, CHUNK)])
        pltpu.sync_copy(dvals, cacc_sh.at[pl.ds(base + k * CHUNK, CHUNK)])
    plsc.subcore_barrier()

    def step(j, _):
        gat = pltpu.async_copy(hs_hbm.at[src_idx.at[j]], rows_v, sem)
        pltpu.async_copy(dinv_hbm.at[dst_idx.at[j]], dvals, sem2).wait()
        pltpu.sync_copy(dvals, cacc_sh.at[src_idx.at[j]], add=True)
        gat.wait()
        pltpu.sync_copy(rows_v, acc_sh.at[dst_idx.at[j]], add=True)
        return _

    lax.fori_loop(0, CHUNKS, step, 0)
    plsc.subcore_barrier()

    for k in range(WCH):
        r = base + k * CHUNK
        pltpu.sync_copy(acc_sh.at[pl.ds(r, CHUNK)], rows_v)
        pltpu.sync_copy(rows_v, accp_hbm.at[c, pl.ds(r, CHUNK)])
        pltpu.sync_copy(cacc_sh.at[pl.ds(r, CHUNK)], dvals)
        pltpu.sync_copy(dvals, cp_hbm.at[pl.ds(c * NPAD + r, CHUNK)])


def _run_msg(hs, dinv, src3, dst3, z2d):
    k = pl.kernel(
        _msg_body,
        out_type=(
            jax.ShapeDtypeStruct((NC, NPAD, H), jnp.float32),
            jax.ShapeDtypeStruct((NC * NPAD,), jnp.float32),
        ),
        mesh=_sc_mesh(),
        scratch_types=[
            pltpu.VMEM_SHARED((NPAD, H), jnp.float32),
            pltpu.VMEM_SHARED((NPAD,), jnp.float32),
            pltpu.VMEM((CHUNKS, CHUNK), jnp.int32),
            pltpu.VMEM((CHUNKS, CHUNK), jnp.int32),
            pltpu.VMEM((CHUNK, H), jnp.float32),
            pltpu.VMEM((CHUNK,), jnp.float32),
            pltpu.SemaphoreType.DMA,
            pltpu.SemaphoreType.DMA,
        ],
    )
    return k(hs, dinv, src3, dst3, z2d)


BLK1 = 512


def _dense1_body(x_ref, w1_ref, degt_ref, hs_ref, dinv_ref):
    pid = pl.program_id(0)
    deg = degt_ref[:, 0:1] + degt_ref[:, 1:2] + 1.0
    row = pid * BLK1 + lax.broadcasted_iota(jnp.int32, (BLK1, 1), 0)
    dinv = jnp.where(row < N, lax.rsqrt(jnp.maximum(deg, 1.0)), 0.0)
    dinv_ref[...] = dinv
    h = jnp.dot(x_ref[...], w1_ref[...],
                preferred_element_type=jnp.float32,
                precision=jax.lax.Precision.HIGHEST)
    hs_ref[...] = h * dinv


def _run_dense1(xp, W1, degT):
    grid = (NPAD // BLK1,)
    return pl.pallas_call(
        _dense1_body,
        grid=grid,
        in_specs=[
            pl.BlockSpec((BLK1, D), lambda i: (i, 0)),
            pl.BlockSpec((D, H), lambda i: (0, 0)),
            pl.BlockSpec((BLK1, NC), lambda i: (i, 0)),
        ],
        out_specs=[
            pl.BlockSpec((BLK1, H), lambda i: (i, 0)),
            pl.BlockSpec((BLK1, 1), lambda i: (i, 0)),
        ],
        out_shape=[
            jax.ShapeDtypeStruct((NPAD, H), jnp.float32),
            jax.ShapeDtypeStruct((NPAD, 1), jnp.float32),
        ],
    )(xp, W1, degT)


BLK2 = 512


def _final_body(accp_ref, hs_ref, dinv_ref, cpt_ref, b1_ref, w2_ref, b2_ref,
                wl_ref, bl_ref, out_ref, g_ref):
    i = pl.program_id(0)

    @pl.when(i == 0)
    def _init():
        g_ref[...] = jnp.zeros_like(g_ref)

    acc = accp_ref[0] + accp_ref[1] + hs_ref[...]
    dinv = dinv_ref[...]
    h1 = jnp.maximum(dinv * acc + b1_ref[...], 0.0)
    cvec = dinv * (cpt_ref[:, 0:1] + cpt_ref[:, 1:2] + dinv)
    g_ref[...] += jnp.sum(h1 * cvec, axis=0, keepdims=True)

    @pl.when(i == pl.num_programs(0) - 1)
    def _fin():
        g = g_ref[...] * (1.0 / N)
        t = jnp.dot(g, w2_ref[...], preferred_element_type=jnp.float32)
        t = t + b2_ref[...]
        out_ref[...] = (
            jnp.dot(t, wl_ref[...], preferred_element_type=jnp.float32)
            + bl_ref[...])


def _run_final(accp, hs, dinv, cpT, b1, W2, b2, Wl, bl):
    grid = (NPAD // BLK2,)
    return pl.pallas_call(
        _final_body,
        grid=grid,
        in_specs=[
            pl.BlockSpec((NC, BLK2, H), lambda i: (0, i, 0)),
            pl.BlockSpec((BLK2, H), lambda i: (i, 0)),
            pl.BlockSpec((BLK2, 1), lambda i: (i, 0)),
            pl.BlockSpec((BLK2, NC), lambda i: (i, 0)),
            pl.BlockSpec((1, H), lambda i: (0, 0)),
            pl.BlockSpec((H, H), lambda i: (0, 0)),
            pl.BlockSpec((1, H), lambda i: (0, 0)),
            pl.BlockSpec((H, C), lambda i: (0, 0)),
            pl.BlockSpec((1, C), lambda i: (0, 0)),
        ],
        out_specs=pl.BlockSpec((1, C), lambda i: (0, 0)),
        out_shape=jax.ShapeDtypeStruct((1, C), jnp.float32),
        scratch_shapes=[pltpu.VMEM((1, H), jnp.float32)],
    )(accp, hs, dinv, cpT, b1, W2, b2, Wl, bl)


@functools.partial(jax.jit)
def kernel(x, edge_index, W1, b1, W2, b2, Wl, bl):
    ei = edge_index.astype(jnp.int32)
    pad = jnp.full((EPAD - E,), NPAD - 1, jnp.int32)
    pad2 = jnp.full((EPAD2 - E,), NPAD - 1, jnp.int32)
    src3 = jnp.concatenate([ei[0], pad]).reshape(NW, CHUNKS, CHUNK)
    dst3 = jnp.concatenate([ei[1], pad]).reshape(NW, CHUNKS, CHUNK)
    dst3d = jnp.concatenate([ei[1], pad2]).reshape(NW, DCHUNKS, CHUNK)
    xp = jnp.pad(x.astype(jnp.float32), ((0, NPAD - N), (0, 0)))

    ones128 = jnp.ones((CHUNK,), jnp.float32)
    z640 = jnp.zeros((ROWS_PER_TILE,), jnp.float32)
    z2d = jnp.zeros((CHUNK, H), jnp.float32)

    degp = _run_deg(dst3d, ones128, z640).reshape(NC, NPAD)
    hs, dinv2 = _run_dense1(xp, W1.astype(jnp.float32), degp.T)
    dinv1 = dinv2.reshape(NPAD)
    accp, cp = _run_msg(hs, dinv1, src3, dst3, z2d)
    cp = cp.reshape(NC, NPAD)
    out = _run_final(accp, hs, dinv2, cp.T,
                     b1.reshape(1, H).astype(jnp.float32),
                     W2.astype(jnp.float32),
                     b2.reshape(1, H).astype(jnp.float32),
                     Wl.astype(jnp.float32),
                     bl.reshape(1, C).astype(jnp.float32))
    return out

# --- scband reference (transcript-rebuilt; emitter-appended) ---
"""Pipeline reference for scband-gcn-45887430590976 (READ-ONLY COPY).

The authoritative reference and input builder live on the scoring server;
editing this copy changes nothing except your own understanding.
"""

import jax, jax.numpy as jnp
import numpy as np

N = 10000
E = 320000
D = 128
H = 128
C = 2


def gcn_conv(x, edge_index, W, b, num_nodes):
    # add self-loops
    loop = jnp.arange(num_nodes, dtype=edge_index.dtype)
    src = jnp.concatenate([edge_index[0], loop])
    dst = jnp.concatenate([edge_index[1], loop])
    # linear transform first (standard GCNConv)
    h = x @ W
    # symmetric normalization
    deg = jax.ops.segment_sum(jnp.ones_like(dst, dtype=h.dtype), dst, num_segments=num_nodes)
    dinv = jax.lax.rsqrt(jnp.maximum(deg, 1.0))
    norm = dinv[src] * dinv[dst]
    msg = h[src] * norm[:, None]
    out = jax.ops.segment_sum(msg, dst, num_segments=num_nodes)
    return out + b


def setup_inputs(seed: int = 0) -> dict:
    key = jax.random.key(seed)
    ks = jax.random.split(key, 8)
    x = jax.random.normal(ks[0], (N, D), dtype=jnp.float32)
    edge_index = jax.random.randint(ks[1], (2, E), 0, N, dtype=jnp.int64)
    W1 = jax.random.normal(ks[2], (D, H), dtype=jnp.float32) * (1.0 / np.sqrt(D))
    b1 = jnp.zeros((H,), dtype=jnp.float32)
    W2 = jax.random.normal(ks[3], (H, H), dtype=jnp.float32) * (1.0 / np.sqrt(H))
    b2 = jnp.zeros((H,), dtype=jnp.float32)
    Wl = jax.random.normal(ks[4], (H, C), dtype=jnp.float32) * (1.0 / np.sqrt(H))
    bl = jnp.zeros((C,), dtype=jnp.float32)
    return {"x": x, "edge_index": edge_index, "W1": W1, "b1": b1, "W2": W2, "b2": b2, "Wl": Wl, "bl": bl}


def reference(x, edge_index, W1, b1, W2, b2, Wl, bl):
    h = gcn_conv(x, edge_index, W1, b1, N)
    h = jax.nn.relu(h)
    h = gcn_conv(h, edge_index, W2, b2, N)
    # global mean pool (single graph)
    g = jnp.mean(h, axis=0, keepdims=True)
    out = g @ Wl + bl
    return out

if __name__ == "__main__":
    import jax
    _d = setup_inputs()
    print(jax.jit(kernel)(*tuple(_d.values())))

</pallas_src>

<mosaic_0001>
#map = affine_map<(d0, d1) -> (0, 0, 0)>
#map1 = affine_map<(d0, d1) -> (0)>
module attributes {stable_mosaic.version = 14 : i64} {
  func.func @_deg_body(%arg0: i32, %arg1: i32, %arg2: memref<32x80x128xi32, #tpu.memory_space<hbm>>, %arg3: memref<128xf32, #tpu.memory_space<hbm>>, %arg4: memref<640xf32, #tpu.memory_space<hbm>>, %arg5: memref<20480xf32, #tpu.memory_space<hbm>>, %arg6: memref<10240xf32, #tpu.memory_space<vmem_shared>>, %arg7: memref<80x128xi32, #tpu.memory_space<vmem>>, %arg8: memref<128xf32, #tpu.memory_space<vmem>>, %arg9: memref<640xf32, #tpu.memory_space<vmem>>, %arg10: memref<!tpu.dma_semaphore, #tpu.memory_space<semaphore_mem>>, %arg11: memref<!tpu.dma_semaphore, #tpu.memory_space<semaphore_mem>>) attributes {dimension_semantics = [#tpu.dimension_semantics<core_parallel>, #tpu.dimension_semantics<subcore_parallel>], iteration_bounds = array<i64: 2, 16>, scalar_prefetch = 0 : i64, scratch_operands = 6 : i64, tpu.core_type = #tpu.core_type<sc_vector_subcore>, window_params = [{transform_indices = #map}, {transform_indices = #map1}, {transform_indices = #map1}, {transform_indices = #map1}]} {
    %mul3A = arith.constant 16 : i32
    %mul3A_0 = arith.muli %arg0, %mul3A : i32
    %add3A = arith.addi %mul3A_0, %arg1 : i32
    %mul3A_1 = arith.constant 640 : i32
    %mul3A_2 = arith.muli %arg1, %mul3A_1 : i32
    "tpu.region"() ({
      %run_scoped3A = tpu.sem_alloc : memref<!tpu.dma_semaphore, #tpu.memory_space<semaphore_mem>>
      tpu.enqueue_dma source(%arg4 : memref<640xf32, #tpu.memory_space<hbm>>) target(%arg9 : memref<640xf32, #tpu.memory_space<vmem>>) target_semaphore(%run_scoped3A : memref<!tpu.dma_semaphore, #tpu.memory_space<semaphore_mem>>)
      tpu.wait_dma2 semaphore(%run_scoped3A : memref<!tpu.dma_semaphore, #tpu.memory_space<semaphore_mem>>) src(%arg4 : memref<640xf32, #tpu.memory_space<hbm>>) dst(%arg9 : memref<640xf32, #tpu.memory_space<vmem>>)
      tpu.yield
    }) : () -> ()
    "tpu.region"() ({
      %run_scoped3A = tpu.sem_alloc : memref<!tpu.dma_semaphore, #tpu.memory_space<semaphore_mem>>
      %dma_start3A = tpu.memref_slice %arg6[%mul3A_2] : memref<10240xf32, #tpu.memory_space<vmem_shared>> -> memref<640xf32, #tpu.memory_space<vmem_shared>>
      %dma_start3A_12 = tpu.memref_slice %arg6[%mul3A_2] : memref<10240xf32, #tpu.memory_space<vmem_shared>> -> memref<640xf32, #tpu.memory_space<vmem_shared>>
      tpu.enqueue_dma source(%arg9 : memref<640xf32, #tpu.memory_space<vmem>>) target(%dma_start3A_12 : memref<640xf32, #tpu.memory_space<vmem_shared>>) target_semaphore(%run_scoped3A : memref<!tpu.dma_semaphore, #tpu.memory_space<semaphore_mem>>)
      %dma_wait3A = tpu.memref_slice %arg6[%mul3A_2] : memref<10240xf32, #tpu.memory_space<vmem_shared>> -> memref<640xf32, #tpu.memory_space<vmem_shared>>
      %dma_wait3A_13 = tpu.memref_slice %arg6[%mul3A_2] : memref<10240xf32, #tpu.memory_space<vmem_shared>> -> memref<640xf32, #tpu.memory_space<vmem_shared>>
      tpu.wait_dma2 semaphore(%run_scoped3A : memref<!tpu.dma_semaphore, #tpu.memory_space<semaphore_mem>>) src(%arg9 : memref<640xf32, #tpu.memory_space<vmem>>) dst(%dma_wait3A_13 : memref<640xf32, #tpu.memory_space<vmem_shared>>)
      tpu.yield
    }) : () -> ()
    "tpu.region"() ({
      %run_scoped3A = tpu.sem_alloc : memref<!tpu.dma_semaphore, #tpu.memory_space<semaphore_mem>>
      tpu.enqueue_dma source(%arg3 : memref<128xf32, #tpu.memory_space<hbm>>) target(%arg8 : memref<128xf32, #tpu.memory_space<vmem>>) target_semaphore(%run_scoped3A : memref<!tpu.dma_semaphore, #tpu.memory_space<semaphore_mem>>)
      tpu.wait_dma2 semaphore(%run_scoped3A : memref<!tpu.dma_semaphore, #tpu.memory_space<semaphore_mem>>) src(%arg3 : memref<128xf32, #tpu.memory_space<hbm>>) dst(%arg8 : memref<128xf32, #tpu.memory_space<vmem>>)
      tpu.yield
    }) : () -> ()
    "tpu.region"() ({
      %run_scoped3A = tpu.sem_alloc : memref<!tpu.dma_semaphore, #tpu.memory_space<semaphore_mem>>
      %dma_start3A = arith.constant 0 : i32
      %dma_start3A_12 = arith.constant 0 : i32
      %dma_start3A_13 = tpu.memref_slice %arg2[%add3A, %dma_start3A, %dma_start3A_12] : memref<32x80x128xi32, #tpu.memory_space<hbm>> -> memref<1x80x128xi32, #tpu.memory_space<hbm>>
      %dma_start3A_14 = tpu.memref_squeeze %dma_start3A_13 : memref<1x80x128xi32, #tpu.memory_space<hbm>> -> memref<80x128xi32, #tpu.memory_space<hbm>>
      %dma_start3A_15 = arith.constant 0 : i32
      %dma_start3A_16 = arith.constant 0 : i32
      %dma_start3A_17 = tpu.memref_slice %arg2[%add3A, %dma_start3A_15, %dma_start3A_16] : memref<32x80x128xi32, #tpu.memory_space<hbm>> -> memref<1x80x128xi32, #tpu.memory_space<hbm>>
      %dma_start3A_18 = tpu.memref_squeeze %dma_start3A_17 : memref<1x80x128xi32, #tpu.memory_space<hbm>> -> memref<80x128xi32, #tpu.memory_space<hbm>>
      tpu.enqueue_dma source(%dma_start3A_18 : memref<80x128xi32, #tpu.memory_space<hbm>>) target(%arg7 : memref<80x128xi32, #tpu.memory_space<vmem>>) target_semaphore(%run_scoped3A : memref<!tpu.dma_semaphore, #tpu.memory_space<semaphore_mem>>)
      %dma_wait3A = arith.constant 0 : i32
      %dma_wait3A_19 = arith.constant 0 : i32
      %dma_wait3A_20 = tpu.memref_slice %arg2[%add3A, %dma_wait3A, %dma_wait3A_19] : memref<32x80x128xi32, #tpu.memory_space<hbm>> -> memref<1x80x128xi32, #tpu.memory_space<hbm>>
      %dma_wait3A_21 = tpu.memref_squeeze %dma_wait3A_20 : memref<1x80x128xi32, #tpu.memory_space<hbm>> -> memref<80x128xi32, #tpu.memory_space<hbm>>
      %dma_wait3A_22 = arith.constant 0 : i32
      %dma_wait3A_23 = arith.constant 0 : i32
      %dma_wait3A_24 = tpu.memref_slice %arg2[%add3A, %dma_wait3A_22, %dma_wait3A_23] : memref<32x80x128xi32, #tpu.memory_space<hbm>> -> memref<1x80x128xi32, #tpu.memory_space<hbm>>
      %dma_wait3A_25 = tpu.memref_squeeze %dma_wait3A_24 : memref<1x80x128xi32, #tpu.memory_space<hbm>> -> memref<80x128xi32, #tpu.memory_space<hbm>>
      tpu.wait_dma2 semaphore(%run_scoped3A : memref<!tpu.dma_semaphore, #tpu.memory_space<semaphore_mem>>) src(%dma_wait3A_25 : memref<80x128xi32, #tpu.memory_space<hbm>>) dst(%arg7 : memref<80x128xi32, #tpu.memory_space<vmem>>)
      tpu.yield
    }) : () -> ()
    %barrier3A = arith.constant 0 : index
    tpu.barrier barrier_id(%barrier3A)
    %scan3A = arith.constant 0 : i32
    %scan3A_3 = arith.constant 0 : i32
    %scan3A_4 = arith.constant 10 : i32
    %scan3A_5 = arith.addi %scan3A_3, %scan3A_4 : i32
    %scan3A_6 = arith.constant 1 : i32
    scf.for %scan3A_12 = %scan3A_3 to %scan3A_5 step %scan3A_6  : i32 {
      %scan3A_13 = arith.constant 0 : i32
      %scan3A_14 = arith.constant 0 : i32
      %scan3A_15 = arith.constant 8 : i32
      %scan3A_16 = arith.addi %scan3A_14, %scan3A_15 : i32
      %scan3A_17 = arith.constant 1 : i32
      scf.for %scan3A_25 = %scan3A_14 to %scan3A_16 step %scan3A_17  : i32 {
        %mul3A_26 = arith.constant 8 : i32
        %mul3A_27 = arith.muli %scan3A_12, %mul3A_26 : i32
        %add3A_28 = arith.addi %mul3A_27, %scan3A_25 : i32
        %dma_start3A = arith.constant 0 : i32
        %dma_start3A_29 = tpu.memref_slice %arg7[%add3A_28, %dma_start3A] : memref<80x128xi32, #tpu.memory_space<vmem>> -> memref<1x128xi32, #tpu.memory_space<vmem>>
        %dma_start3A_30 = tpu.memref_squeeze %dma_start3A_29 : memref<1x128xi32, #tpu.memory_space<vmem>> -> memref<128xi32, #tpu.memory_space<vmem>>
        %dma_start3A_31 = arith.constant 0 : i32
        %dma_start3A_32 = tpu.memref_slice %arg6[%dma_start3A_31] : memref<10240xf32, #tpu.memory_space<vmem_shared>> -> memref<10240xf32, #tpu.memory_space<vmem_shared>>
        tpu.enqueue_indirect_dma source(%arg8 : memref<128xf32, #tpu.memory_space<vmem>>) target(%dma_start3A_32 : memref<10240xf32, #tpu.memory_space<vmem_shared>>) offsets(%dma_start3A_30 : memref<128xi32, #tpu.memory_space<vmem>>) semaphore(%arg11 : memref<!tpu.dma_semaphore, #tpu.memory_space<semaphore_mem>>) {add = true}
      }
      %scan3A_18 = arith.constant 8 : i32
      %scan3A_19 = arith.constant 0 : i32
      %scan3A_20 = arith.constant 0 : i32
      %scan3A_21 = arith.constant 8 : i32
      %scan3A_22 = arith.addi %scan3A_20, %scan3A_21 : i32
      %scan3A_23 = arith.constant 1 : i32
      scf.for %scan3A_25 = %scan3A_20 to %scan3A_22 step %scan3A_23  : i32 {
        %mul3A_26 = arith.constant 8 : i32
        %mul3A_27 = arith.muli %scan3A_12, %mul3A_26 : i32
        %add3A_28 = arith.addi %mul3A_27, %scan3A_25 : i32
        %dma_wait3A = arith.constant 0 : i32
        %dma_wait3A_29 = tpu.memref_slice %arg7[%add3A_28, %dma_wait3A] : memref<80x128xi32, #tpu.memory_space<vmem>> -> memref<1x128xi32, #tpu.memory_space<vmem>>
        %dma_wait3A_30 = tpu.memref_squeeze %dma_wait3A_29 : memref<1x128xi32, #tpu.memory_space<vmem>> -> memref<128xi32, #tpu.memory_space<vmem>>
        %dma_wait3A_31 = arith.constant 0 : i32
        %dma_wait3A_32 = tpu.memref_slice %arg6[%dma_wait3A_31] : memref<10240xf32, #tpu.memory_space<vmem_shared>> -> memref<10240xf32, #tpu.memory_space<vmem_shared>>
        tpu.wait_indirect_dma semaphore(%arg11 : memref<!tpu.dma_semaphore, #tpu.memory_space<semaphore_mem>>) src(%arg8 : memref<128xf32, #tpu.memory_space<vmem>>) dst(%dma_wait3A_32 : memref<10240xf32, #tpu.memory_space<vmem_shared>>)
      }
      %scan3A_24 = arith.constant 8 : i32
    }
    %scan3A_7 = arith.constant 10 : i32
    %barrier3A_8 = arith.constant 0 : index
    tpu.barrier barrier_id(%barrier3A_8)
    "tpu.region"() ({
      %run_scoped3A = tpu.sem_alloc : memref<!tpu.dma_semaphore, #tpu.memory_space<semaphore_mem>>
      %dma_start3A = tpu.memref_slice %arg6[%mul3A_2] : memref<10240xf32, #tpu.memory_space<vmem_shared>> -> memref<640xf32, #tpu.memory_space<vmem_shared>>
      %dma_start3A_12 = tpu.memref_slice %arg6[%mul3A_2] : memref<10240xf32, #tpu.memory_space<vmem_shared>> -> memref<640xf32, #tpu.memory_space<vmem_shared>>
      tpu.enqueue_dma source(%dma_start3A_12 : memref<640xf32, #tpu.memory_space<vmem_shared>>) target(%arg9 : memref<640xf32, #tpu.memory_space<vmem>>) target_semaphore(%run_scoped3A : memref<!tpu.dma_semaphore, #tpu.memory_space<semaphore_mem>>)
      %dma_wait3A = tpu.memref_slice %arg6[%mul3A_2] : memref<10240xf32, #tpu.memory_space<vmem_shared>> -> memref<640xf32, #tpu.memory_space<vmem_shared>>
      %dma_wait3A_13 = tpu.memref_slice %arg6[%mul3A_2] : memref<10240xf32, #tpu.memory_space<vmem_shared>> -> memref<640xf32, #tpu.memory_space<vmem_shared>>
      tpu.wait_dma2 semaphore(%run_scoped3A : memref<!tpu.dma_semaphore, #tpu.memory_space<semaphore_mem>>) src(%dma_wait3A_13 : memref<640xf32, #tpu.memory_space<vmem_shared>>) dst(%arg9 : memref<640xf32, #tpu.memory_space<vmem>>)
      tpu.yield
    }) : () -> ()
    %mul3A_9 = arith.constant 10240 : i32
    %mul3A_10 = arith.muli %arg0, %mul3A_9 : i32
    %add3A_11 = arith.addi %mul3A_10, %mul3A_2 : i32
    "tpu.region"() ({
      %run_scoped3A = tpu.sem_alloc : memref<!tpu.dma_semaphore, #tpu.memory_space<semaphore_mem>>
      %dma_start3A = tpu.memref_slice %arg5[%add3A_11] : memref<20480xf32, #tpu.memory_space<hbm>> -> memref<640xf32, #tpu.memory_space<hbm>>
      %dma_start3A_12 = tpu.memref_slice %arg5[%add3A_11] : memref<20480xf32, #tpu.memory_space<hbm>> -> memref<640xf32, #tpu.memory_space<hbm>>
      tpu.enqueue_dma source(%arg9 : memref<640xf32, #tpu.memory_space<vmem>>) target(%dma_start3A_12 : memref<640xf32, #tpu.memory_space<hbm>>) target_semaphore(%run_scoped3A : memref<!tpu.dma_semaphore, #tpu.memory_space<semaphore_mem>>)
      %dma_wait3A = tpu.memref_slice %arg5[%add3A_11] : memref<20480xf32, #tpu.memory_space<hbm>> -> memref<640xf32, #tpu.memory_space<hbm>>
      %dma_wait3A_13 = tpu.memref_slice %arg5[%add3A_11] : memref<20480xf32, #tpu.memory_space<hbm>> -> memref<640xf32, #tpu.memory_space<hbm>>
      tpu.wait_dma2 semaphore(%run_scoped3A : memref<!tpu.dma_semaphore, #tpu.memory_space<semaphore_mem>>) src(%arg9 : memref<640xf32, #tpu.memory_space<vmem>>) dst(%dma_wait3A_13 : memref<640xf32, #tpu.memory_space<hbm>>)
      tpu.yield
    }) : () -> ()
    return
  }
}

#map = affine_map<(d0, d1) -> (0, 0)>
#map1 = affine_map<(d0, d1) -> (0)>
#map2 = affine_map<(d0, d1) -> (0, 0, 0)>
module attributes {stable_mosaic.version = 14 : i64} {
  func.func @_msg_body(%arg0: i32, %arg1: i32, %arg2: memref<10240x128xf32, #tpu.memory_space<hbm>>, %arg3: memref<10240xf32, #tpu.memory_space<hbm>>, %arg4: memref<32x79x128xi32, #tpu.memory_space<hbm>>, %arg5: memref<32x79x128xi32, #tpu.memory_space<hbm>>, %arg6: memref<128x128xf32, #tpu.memory_space<hbm>>, %arg7: memref<2x10240x128xf32, #tpu.memory_space<hbm>>, %arg8: memref<20480xf32, #tpu.memory_space<hbm>>, %arg9: memref<10240x128xf32, #tpu.memory_space<vmem_shared>>, %arg10: memref<10240xf32, #tpu.memory_space<vmem_shared>>, %arg11: memref<79x128xi32, #tpu.memory_space<vmem>>, %arg12: memref<79x128xi32, #tpu.memory_space<vmem>>, %arg13: memref<128x128xf32, #tpu.memory_space<vmem>>, %arg14: memref<128xf32, #tpu.memory_space<vmem>>, %arg15: memref<!tpu.dma_semaphore, #tpu.memory_space<semaphore_mem>>, %arg16: memref<!tpu.dma_semaphore, #tpu.memory_space<semaphore_mem>>) attributes {dimension_semantics = [#tpu.dimension_semantics<core_parallel>, #tpu.dimension_semantics<subcore_parallel>], iteration_bounds = array<i64: 2, 16>, scalar_prefetch = 0 : i64, scratch_operands = 8 : i64, tpu.core_type = #tpu.core_type<sc_vector_subcore>, window_params = [{transform_indices = #map}, {transform_indices = #map1}, {transform_indices = #map2}, {transform_indices = #map2}, {transform_indices = #map}, {transform_indices = #map2}, {transform_indices = #map1}]} {
    %mul3A = arith.constant 16 : i32
    %mul3A_0 = arith.muli %arg0, %mul3A : i32
    %add3A = arith.addi %mul3A_0, %arg1 : i32
    %mul3A_1 = arith.constant 640 : i32
    %mul3A_2 = arith.muli %arg1, %mul3A_1 : i32
    "tpu.region"() ({
      %run_scoped3A = tpu.sem_alloc : memref<!tpu.dma_semaphore, #tpu.memory_space<semaphore_mem>>
      %dma_start3A = arith.constant 0 : i32
      %dma_start3A_100 = arith.constant 0 : i32
      %dma_start3A_101 = tpu.memref_slice %arg4[%add3A, %dma_start3A, %dma_start3A_100] : memref<32x79x128xi32, #tpu.memory_space<hbm>> -> memref<1x79x128xi32, #tpu.memory_space<hbm>>
      %dma_start3A_102 = tpu.memref_squeeze %dma_start3A_101 : memref<1x79x128xi32, #tpu.memory_space<hbm>> -> memref<79x128xi32, #tpu.memory_space<hbm>>
      %dma_start3A_103 = arith.constant 0 : i32
      %dma_start3A_104 = arith.constant 0 : i32
      %dma_start3A_105 = tpu.memref_slice %arg4[%add3A, %dma_start3A_103, %dma_start3A_104] : memref<32x79x128xi32, #tpu.memory_space<hbm>> -> memref<1x79x128xi32, #tpu.memory_space<hbm>>
      %dma_start3A_106 = tpu.memref_squeeze %dma_start3A_105 : memref<1x79x128xi32, #tpu.memory_space<hbm>> -> memref<79x128xi32, #tpu.memory_space<hbm>>
      tpu.enqueue_dma source(%dma_start3A_106 : memref<79x128xi32, #tpu.memory_space<hbm>>) target(%arg11 : memref<79x128xi32, #tpu.memory_space<vmem>>) target_semaphore(%run_scoped3A : memref<!tpu.dma_semaphore, #tpu.memory_space<semaphore_mem>>)
      %dma_wait3A = arith.constant 0 : i32
      %dma_wait3A_107 = arith.constant 0 : i32
      %dma_wait3A_108 = tpu.memref_slice %arg4[%add3A, %dma_wait3A, %dma_wait3A_107] : memref<32x79x128xi32, #tpu.memory_space<hbm>> -> memref<1x79x128xi32, #tpu.memory_space<hbm>>
      %dma_wait3A_109 = tpu.memref_squeeze %dma_wait3A_108 : memref<1x79x128xi32, #tpu.memory_space<hbm>> -> memref<79x128xi32, #tpu.memory_space<hbm>>
      %dma_wait3A_110 = arith.constant 0 : i32
      %dma_wait3A_111 = arith.constant 0 : i32
      %dma_wait3A_112 = tpu.memref_slice %arg4[%add3A, %dma_wait3A_110, %dma_wait3A_111] : memref<32x79x128xi32, #tpu.memory_space<hbm>> -> memref<1x79x128xi32, #tpu.memory_space<hbm>>
      %dma_wait3A_113 = tpu.memref_squeeze %dma_wait3A_112 : memref<1x79x128xi32, #tpu.memory_space<hbm>> -> memref<79x128xi32, #tpu.memory_space<hbm>>
      tpu.wait_dma2 semaphore(%run_scoped3A : memref<!tpu.dma_semaphore, #tpu.memory_space<semaphore_mem>>) src(%dma_wait3A_113 : memref<79x128xi32, #tpu.memory_space<hbm>>) dst(%arg11 : memref<79x128xi32, #tpu.memory_space<vmem>>)
      tpu.yield
    }) : () -> ()
    "tpu.region"() ({
      %run_scoped3A = tpu.sem_alloc : memref<!tpu.dma_semaphore, #tpu.memory_space<semaphore_mem>>
      %dma_start3A = arith.constant 0 : i32
      %dma_start3A_100 = arith.constant 0 : i32
      %dma_start3A_101 = tpu.memref_slice %arg5[%add3A, %dma_start3A, %dma_start3A_100] : memref<32x79x128xi32, #tpu.memory_space<hbm>> -> memref<1x79x128xi32, #tpu.memory_space<hbm>>
      %dma_start3A_102 = tpu.memref_squeeze %dma_start3A_101 : memref<1x79x128xi32, #tpu.memory_space<hbm>> -> memref<79x128xi32, #tpu.memory_space<hbm>>
      %dma_start3A_103 = arith.constant 0 : i32
      %dma_start3A_104 = arith.constant 0 : i32
      %dma_start3A_105 = tpu.memref_slice %arg5[%add3A, %dma_start3A_103, %dma_start3A_104] : memref<32x79x128xi32, #tpu.memory_space<hbm>> -> memref<1x79x128xi32, #tpu.memory_space<hbm>>
      %dma_start3A_106 = tpu.memref_squeeze %dma_start3A_105 : memref<1x79x128xi32, #tpu.memory_space<hbm>> -> memref<79x128xi32, #tpu.memory_space<hbm>>
      tpu.enqueue_dma source(%dma_start3A_106 : memref<79x128xi32, #tpu.memory_space<hbm>>) target(%arg12 : memref<79x128xi32, #tpu.memory_space<vmem>>) target_semaphore(%run_scoped3A : memref<!tpu.dma_semaphore, #tpu.memory_space<semaphore_mem>>)
      %dma_wait3A = arith.constant 0 : i32
      %dma_wait3A_107 = arith.constant 0 : i32
      %dma_wait3A_108 = tpu.memref_slice %arg5[%add3A, %dma_wait3A, %dma_wait3A_107] : memref<32x79x128xi32, #tpu.memory_space<hbm>> -> memref<1x79x128xi32, #tpu.memory_space<hbm>>
      %dma_wait3A_109 = tpu.memref_squeeze %dma_wait3A_108 : memref<1x79x128xi32, #tpu.memory_space<hbm>> -> memref<79x128xi32, #tpu.memory_space<hbm>>
      %dma_wait3A_110 = arith.constant 0 : i32
      %dma_wait3A_111 = arith.constant 0 : i32
      %dma_wait3A_112 = tpu.memref_slice %arg5[%add3A, %dma_wait3A_110, %dma_wait3A_111] : memref<32x79x128xi32, #tpu.memory_space<hbm>> -> memref<1x79x128xi32, #tpu.memory_space<hbm>>
      %dma_wait3A_113 = tpu.memref_squeeze %dma_wait3A_112 : memref<1x79x128xi32, #tpu.memory_space<hbm>> -> memref<79x128xi32, #tpu.memory_space<hbm>>
      tpu.wait_dma2 semaphore(%run_scoped3A : memref<!tpu.dma_semaphore, #tpu.memory_space<semaphore_mem>>) src(%dma_wait3A_113 : memref<79x128xi32, #tpu.memory_space<hbm>>) dst(%arg12 : memref<79x128xi32, #tpu.memory_space<vmem>>)
      tpu.yield
    }) : () -> ()
    "tpu.region"() ({
      %run_scoped3A = tpu.sem_alloc : memref<!tpu.dma_semaphore, #tpu.memory_space<semaphore_mem>>
      tpu.enqueue_dma source(%arg6 : memref<128x128xf32, #tpu.memory_space<hbm>>) target(%arg13 : memref<128x128xf32, #tpu.memory_space<vmem>>) target_semaphore(%run_scoped3A : memref<!tpu.dma_semaphore, #tpu.memory_space<semaphore_mem>>)
      tpu.wait_dma2 semaphore(%run_scoped3A : memref<!tpu.dma_semaphore, #tpu.memory_space<semaphore_mem>>) src(%arg6 : memref<128x128xf32, #tpu.memory_space<hbm>>) dst(%arg13 : memref<128x128xf32, #tpu.memory_space<vmem>>)
      tpu.yield
    }) : () -> ()
    %broadcast_in_dim3A = arith.constant 0.000000e+00 : f32
    %broadcast_in_dim3A_3 = vector.broadcast %broadcast_in_dim3A : f32 to vector<16xf32>
    %swap3A = arith.constant 0 : index
    %swap3A_4 = tpu.vector_load %arg14[%swap3A] {strides = array<i32>} : memref<128xf32, #tpu.memory_space<vmem>>, vector<16xf32>,
    %swap3A_5 = vector.shape_cast %swap3A_4 : vector<16xf32> to vector<16xf32>
    %swap3A_6 = vector.shape_cast %broadcast_in_dim3A_3 : vector<16xf32> to vector<16xf32>
    tpu.vector_store %arg14[%swap3A], %swap3A_6 {strides = array<i32>} : memref<128xf32, #tpu.memory_space<vmem>>, vector<16xf32>,
    %broadcast_in_dim3A_7 = arith.constant 0.000000e+00 : f32
    %broadcast_in_dim3A_8 = vector.broadcast %broadcast_in_dim3A_7 : f32 to vector<16xf32>
    %swap3A_9 = arith.constant 16 : index
    %swap3A_10 = tpu.vector_load %arg14[%swap3A_9] {strides = array<i32>} : memref<128xf32, #tpu.memory_space<vmem>>, vector<16xf32>,
    %swap3A_11 = vector.shape_cast %swap3A_10 : vector<16xf32> to vector<16xf32>
    %swap3A_12 = vector.shape_cast %broadcast_in_dim3A_8 : vector<16xf32> to vector<16xf32>
    tpu.vector_store %arg14[%swap3A_9], %swap3A_12 {strides = array<i32>} : memref<128xf32, #tpu.memory_space<vmem>>, vector<16xf32>,
    %broadcast_in_dim3A_13 = arith.constant 0.000000e+00 : f32
    %broadcast_in_dim3A_14 = vector.broadcast %broadcast_in_dim3A_13 : f32 to vector<16xf32>
    %swap3A_15 = arith.constant 32 : index
    %swap3A_16 = tpu.vector_load %arg14[%swap3A_15] {strides = array<i32>} : memref<128xf32, #tpu.memory_space<vmem>>, vector<16xf32>,
    %swap3A_17 = vector.shape_cast %swap3A_16 : vector<16xf32> to vector<16xf32>
    %swap3A_18 = vector.shape_cast %broadcast_in_dim3A_14 : vector<16xf32> to vector<16xf32>
    tpu.vector_store %arg14[%swap3A_15], %swap3A_18 {strides = array<i32>} : memref<128xf32, #tpu.memory_space<vmem>>, vector<16xf32>,
    %broadcast_in_dim3A_19 = arith.constant 0.000000e+00 : f32
    %broadcast_in_dim3A_20 = vector.broadcast %broadcast_in_dim3A_19 : f32 to vector<16xf32>
    %swap3A_21 = arith.constant 48 : index
    %swap3A_22 = tpu.vector_load %arg14[%swap3A_21] {strides = array<i32>} : memref<128xf32, #tpu.memory_space<vmem>>, vector<16xf32>,
    %swap3A_23 = vector.shape_cast %swap3A_22 : vector<16xf32> to vector<16xf32>
    %swap3A_24 = vector.shape_cast %broadcast_in_dim3A_20 : vector<16xf32> to vector<16xf32>
    tpu.vector_store %arg14[%swap3A_21], %swap3A_24 {strides = array<i32>} : memref<128xf32, #tpu.memory_space<vmem>>, vector<16xf32>,
    %broadcast_in_dim3A_25 = arith.constant 0.000000e+00 : f32
    %broadcast_in_dim3A_26 = vector.broadcast %broadcast_in_dim3A_25 : f32 to vector<16xf32>
    %swap3A_27 = arith.constant 64 : index
    %swap3A_28 = tpu.vector_load %arg14[%swap3A_27] {strides = array<i32>} : memref<128xf32, #tpu.memory_space<vmem>>, vector<16xf32>,
    %swap3A_29 = vector.shape_cast %swap3A_28 : vector<16xf32> to vector<16xf32>
    %swap3A_30 = vector.shape_cast %broadcast_in_dim3A_26 : vector<16xf32> to vector<16xf32>
    tpu.vector_store %arg14[%swap3A_27], %swap3A_30 {strides = array<i32>} : memref<128xf32, #tpu.memory_space<vmem>>, vector<16xf32>,
    %broadcast_in_dim3A_31 = arith.constant 0.000000e+00 : f32
    %broadcast_in_dim3A_32 = vector.broadcast %broadcast_in_dim3A_31 : f32 to vector<16xf32>
    %swap3A_33 = arith.constant 80 : index
    %swap3A_34 = tpu.vector_load %arg14[%swap3A_33] {strides = array<i32>} : memref<128xf32, #tpu.memory_space<vmem>>, vector<16xf32>,
    %swap3A_35 = vector.shape_cast %swap3A_34 : vector<16xf32> to vector<16xf32>
    %swap3A_36 = vector.shape_cast %broadcast_in_dim3A_32 : vector<16xf32> to vector<16xf32>
    tpu.vector_store %arg14[%swap3A_33], %swap3A_36 {strides = array<i32>} : memref<128xf32, #tpu.memory_space<vmem>>, vector<16xf32>,
    %broadcast_in_dim3A_37 = arith.constant 0.000000e+00 : f32
    %broadcast_in_dim3A_38 = vector.broadcast %broadcast_in_dim3A_37 : f32 to vector<16xf32>
    %swap3A_39 = arith.constant 96 : index
    %swap3A_40 = tpu.vector_load %arg14[%swap3A_39] {strides = array<i32>} : memref<128xf32, #tpu.memory_space<vmem>>, vector<16xf32>,
    %swap3A_41 = vector.shape_cast %swap3A_40 : vector<16xf32> to vector<16xf32>
    %swap3A_42 = vector.shape_cast %broadcast_in_dim3A_38 : vector<16xf32> to vector<16xf32>
    tpu.vector_store %arg14[%swap3A_39], %swap3A_42 {strides = array<i32>} : memref<128xf32, #tpu.memory_space<vmem>>, vector<16xf32>,
    %broadcast_in_dim3A_43 = arith.constant 0.000000e+00 : f32
    %broadcast_in_dim3A_44 = vector.broadcast %broadcast_in_dim3A_43 : f32 to vector<16xf32>
    %swap3A_45 = arith.constant 112 : index
    %swap3A_46 = tpu.vector_load %arg14[%swap3A_45] {strides = array<i32>} : memref<128xf32, #tpu.memory_space<vmem>>, vector<16xf32>,
    %swap3A_47 = vector.shape_cast %swap3A_46 : vector<16xf32> to vector<16xf32>
    %swap3A_48 = vector.shape_cast %broadcast_in_dim3A_44 : vector<16xf32> to vector<16xf32>
    tpu.vector_store %arg14[%swap3A_45], %swap3A_48 {strides = array<i32>} : memref<128xf32, #tpu.memory_space<vmem>>, vector<16xf32>,
    %add3A_49 = arith.constant 0 : i32
    %add3A_50 = arith.addi %mul3A_2, %add3A_49 : i32
    "tpu.region"() ({
      %run_scoped3A = tpu.sem_alloc : memref<!tpu.dma_semaphore, #tpu.memory_space<semaphore_mem>>
      %dma_start3A = arith.constant 0 : i32
      %dma_start3A_100 = tpu.memref_slice %arg9[%add3A_50, %dma_start3A] : memref<10240x128xf32, #tpu.memory_space<vmem_shared>> -> memref<128x128xf32, #tpu.memory_space<vmem_shared>>
      %dma_start3A_101 = arith.constant 0 : i32
      %dma_start3A_102 = tpu.memref_slice %arg9[%add3A_50, %dma_start3A_101] : memref<10240x128xf32, #tpu.memory_space<vmem_shared>> -> memref<128x128xf32, #tpu.memory_space<vmem_shared>>
      tpu.enqueue_dma source(%arg13 : memref<128x128xf32, #tpu.memory_space<vmem>>) target(%dma_start3A_102 : memref<128x128xf32, #tpu.memory_space<vmem_shared>>) target_semaphore(%run_scoped3A : memref<!tpu.dma_semaphore, #tpu.memory_space<semaphore_mem>>)
      %dma_wait3A = arith.constant 0 : i32
      %dma_wait3A_103 = tpu.memref_slice %arg9[%add3A_50, %dma_wait3A] : memref<10240x128xf32, #tpu.memory_space<vmem_shared>> -> memref<128x128xf32, #tpu.memory_space<vmem_shared>>
      %dma_wait3A_104 = arith.constant 0 : i32
      %dma_wait3A_105 = tpu.memref_slice %arg9[%add3A_50, %dma_wait3A_104] : memref<10240x128xf32, #tpu.memory_space<vmem_shared>> -> memref<128x128xf32, #tpu.memory_space<vmem_shared>>
      tpu.wait_dma2 semaphore(%run_scoped3A : memref<!tpu.dma_semaphore, #tpu.memory_space<semaphore_mem>>) src(%arg13 : memref<128x128xf32, #tpu.memory_space<vmem>>) dst(%dma_wait3A_105 : memref<128x128xf32, #tpu.memory_space<vmem_shared>>)
      tpu.yield
    }) : () -> ()
    %add3A_51 = arith.constant 0 : i32
    %add3A_52 = arith.addi %mul3A_2, %add3A_51 : i32
    "tpu.region"() ({
      %run_scoped3A = tpu.sem_alloc : memref<!tpu.dma_semaphore, #tpu.memory_space<semaphore_mem>>
      %dma_start3A = tpu.memref_slice %arg10[%add3A_52] : memref<10240xf32, #tpu.memory_space<vmem_shared>> -> memref<128xf32, #tpu.memory_space<vmem_shared>>
      %dma_start3A_100 = tpu.memref_slice %arg10[%add3A_52] : memref<10240xf32, #tpu.memory_space<vmem_shared>> -> memref<128xf32, #tpu.memory_space<vmem_shared>>
      tpu.enqueue_dma source(%arg14 : memref<128xf32, #tpu.memory_space<vmem>>) target(%dma_start3A_100 : memref<128xf32, #tpu.memory_space<vmem_shared>>) target_semaphore(%run_scoped3A : memref<!tpu.dma_semaphore, #tpu.memory_space<semaphore_mem>>)
      %dma_wait3A = tpu.memref_slice %arg10[%add3A_52] : memref<10240xf32, #tpu.memory_space<vmem_shared>> -> memref<128xf32, #tpu.memory_space<vmem_shared>>
      %dma_wait3A_101 = tpu.memref_slice %arg10[%add3A_52] : memref<10240xf32, #tpu.memory_space<vmem_shared>> -> memref<128xf32, #tpu.memory_space<vmem_shared>>
      tpu.wait_dma2 semaphore(%run_scoped3A : memref<!tpu.dma_semaphore, #tpu.memory_space<semaphore_mem>>) src(%arg14 : memref<128xf32, #tpu.memory_space<vmem>>) dst(%dma_wait3A_101 : memref<128xf32, #tpu.memory_space<vmem_shared>>)
      tpu.yield
    }) : () -> ()
    %add3A_53 = arith.constant 128 : i32
    %add3A_54 = arith.addi %mul3A_2, %add3A_53 : i32
    "tpu.region"() ({
      %run_scoped3A = tpu.sem_alloc : memref<!tpu.dma_semaphore, #tpu.memory_space<semaphore_mem>>
      %dma_start3A = arith.constant 0 : i32
      %dma_start3A_100 = tpu.memref_slice %arg9[%add3A_54, %dma_start3A] : memref<10240x128xf32, #tpu.memory_space<vmem_shared>> -> memref<128x128xf32, #tpu.memory_space<vmem_shared>>
      %dma_start3A_101 = arith.constant 0 : i32
      %dma_start3A_102 = tpu.memref_slice %arg9[%add3A_54, %dma_start3A_101] : memref<10240x128xf32, #tpu.memory_space<vmem_shared>> -> memref<128x128xf32, #tpu.memory_space<vmem_shared>>
      tpu.enqueue_dma source(%arg13 : memref<128x128xf32, #tpu.memory_space<vmem>>) target(%dma_start3A_102 : memref<128x128xf32, #tpu.memory_space<vmem_shared>>) target_semaphore(%run_scoped3A : memref<!tpu.dma_semaphore, #tpu.memory_space<semaphore_mem>>)
      %dma_wait3A = arith.constant 0 : i32
      %dma_wait3A_103 = tpu.memref_slice %arg9[%add3A_54, %dma_wait3A] : memref<10240x128xf32, #tpu.memory_space<vmem_shared>> -> memref<128x128xf32, #tpu.memory_space<vmem_shared>>
      %dma_wait3A_104 = arith.constant 0 : i32
      %dma_wait3A_105 = tpu.memref_slice %arg9[%add3A_54, %dma_wait3A_104] : memref<10240x128xf32, #tpu.memory_space<vmem_shared>> -> memref<128x128xf32, #tpu.memory_space<vmem_shared>>
      tpu.wait_dma2 semaphore(%run_scoped3A : memref<!tpu.dma_semaphore, #tpu.memory_space<semaphore_mem>>) src(%arg13 : memref<128x128xf32, #tpu.memory_space<vmem>>) dst(%dma_wait3A_105 : memref<128x128xf32, #tpu.memory_space<vmem_shared>>)
      tpu.yield
    }) : () -> ()
    %add3A_55 = arith.constant 128 : i32
    %add3A_56 = arith.addi %mul3A_2, %add3A_55 : i32
    "tpu.region"() ({
      %run_scoped3A = tpu.sem_alloc : memref<!tpu.dma_semaphore, #tpu.memory_space<semaphore_mem>>
      %dma_start3A = tpu.memref_slice %arg10[%add3A_56] : memref<10240xf32, #tpu.memory_space<vmem_shared>> -> memref<128xf32, #tpu.memory_space<vmem_shared>>
      %dma_start3A_100 = tpu.memref_slice %arg10[%add3A_56] : memref<10240xf32, #tpu.memory_space<vmem_shared>> -> memref<128xf32, #tpu.memory_space<vmem_shared>>
      tpu.enqueue_dma source(%arg14 : memref<128xf32, #tpu.memory_space<vmem>>) target(%dma_start3A_100 : memref<128xf32, #tpu.memory_space<vmem_shared>>) target_semaphore(%run_scoped3A : memref<!tpu.dma_semaphore, #tpu.memory_space<semaphore_mem>>)
      %dma_wait3A = tpu.memref_slice %arg10[%add3A_56] : memref<10240xf32, #tpu.memory_space<vmem_shared>> -> memref<128xf32, #tpu.memory_space<vmem_shared>>
      %dma_wait3A_101 = tpu.memref_slice %arg10[%add3A_56] : memref<10240xf32, #tpu.memory_space<vmem_shared>> -> memref<128xf32, #tpu.memory_space<vmem_shared>>
      tpu.wait_dma2 semaphore(%run_scoped3A : memref<!tpu.dma_semaphore, #tpu.memory_space<semaphore_mem>>) src(%arg14 : memref<128xf32, #tpu.memory_space<vmem>>) dst(%dma_wait3A_101 : memref<128xf32, #tpu.memory_space<vmem_shared>>)
      tpu.yield
    }) : () -> ()
    %add3A_57 = arith.constant 256 : i32
    %add3A_58 = arith.addi %mul3A_2, %add3A_57 : i32
    "tpu.region"() ({
      %run_scoped3A = tpu.sem_alloc : memref<!tpu.dma_semaphore, #tpu.memory_space<semaphore_mem>>
      %dma_start3A = arith.constant 0 : i32
      %dma_start3A_100 = tpu.memref_slice %arg9[%add3A_58, %dma_start3A] : memref<10240x128xf32, #tpu.memory_space<vmem_shared>> -> memref<128x128xf32, #tpu.memory_space<vmem_shared>>
      %dma_start3A_101 = arith.constant 0 : i32
      %dma_start3A_102 = tpu.memref_slice %arg9[%add3A_58, %dma_start3A_101] : memref<10240x128xf32, #tpu.memory_space<vmem_shared>> -> memref<128x128xf32, #tpu.memory_space<vmem_shared>>
      tpu.enqueue_dma source(%arg13 : memref<128x128xf32, #tpu.memory_space<vmem>>) target(%dma_start3A_102 : memref<128x128xf32, #tpu.memory_space<vmem_shared>>) target_semaphore(%run_scoped3A : memref<!tpu.dma_semaphore, #tpu.memory_space<semaphore_mem>>)
      %dma_wait3A = arith.constant 0 : i32
      %dma_wait3A_103 = tpu.memref_slice %arg9[%add3A_58, %dma_wait3A] : memref<10240x128xf32, #tpu.memory_space<vmem_shared>> -> memref<128x128xf32, #tpu.memory_space<vmem_shared>>
      %dma_wait3A_104 = arith.constant 0 : i32
      %dma_wait3A_105 = tpu.memref_slice %arg9[%add3A_58, %dma_wait3A_104] : memref<10240x128xf32, #tpu.memory_space<vmem_shared>> -> memref<128x128xf32, #tpu.memory_space<vmem_shared>>
      tpu.wait_dma2 semaphore(%run_scoped3A : memref<!tpu.dma_semaphore, #tpu.memory_space<semaphore_mem>>) src(%arg13 : memref<128x128xf32, #tpu.memory_space<vmem>>) dst(%dma_wait3A_105 : memref<128x128xf32, #tpu.memory_space<vmem_shared>>)
      tpu.yield
    }) : () -> ()
    %add3A_59 = arith.constant 256 : i32
    %add3A_60 = arith.addi %mul3A_2, %add3A_59 : i32
    "tpu.region"() ({
      %run_scoped3A = tpu.sem_alloc : memref<!tpu.dma_semaphore, #tpu.memory_space<semaphore_mem>>
      %dma_start3A = tpu.memref_slice %arg10[%add3A_60] : memref<10240xf32, #tpu.memory_space<vmem_shared>> -> memref<128xf32, #tpu.memory_space<vmem_shared>>
      %dma_start3A_100 = tpu.memref_slice %arg10[%add3A_60] : memref<10240xf32, #tpu.memory_space<vmem_shared>> -> memref<128xf32, #tpu.memory_space<vmem_shared>>
      tpu.enqueue_dma source(%arg14 : memref<128xf32, #tpu.memory_space<vmem>>) target(%dma_start3A_100 : memref<128xf32, #tpu.memory_space<vmem_shared>>) target_semaphore(%run_scoped3A : memref<!tpu.dma_semaphore, #tpu.memory_space<semaphore_mem>>)
      %dma_wait3A = tpu.memref_slice %arg10[%add3A_60] : memref<10240xf32, #tpu.memory_space<vmem_shared>> -> memref<128xf32, #tpu.memory_space<vmem_shared>>
      %dma_wait3A_101 = tpu.memref_slice %arg10[%add3A_60] : memref<10240xf32, #tpu.memory_space<vmem_shared>> -> memref<128xf32, #tpu.memory_space<vmem_shared>>
      tpu.wait_dma2 semaphore(%run_scoped3A : memref<!tpu.dma_semaphore, #tpu.memory_space<semaphore_mem>>) src(%arg14 : memref<128xf32, #tpu.memory_space<vmem>>) dst(%dma_wait3A_101 : memref<128xf32, #tpu.memory_space<vmem_shared>>)
      tpu.yield
    }) : () -> ()
    %add3A_61 = arith.constant 384 : i32
    %add3A_62 = arith.addi %mul3A_2, %add3A_61 : i32
    "tpu.region"() ({
      %run_scoped3A = tpu.sem_alloc : memref<!tpu.dma_semaphore, #tpu.memory_space<semaphore_mem>>
      %dma_start3A = arith.constant 0 : i32
      %dma_start3A_100 = tpu.memref_slice %arg9[%add3A_62, %dma_start3A] : memref<10240x128xf32, #tpu.memory_space<vmem_shared>> -> memref<128x128xf32, #tpu.memory_space<vmem_shared>>
      %dma_start3A_101 = arith.constant 0 : i32
      %dma_start3A_102 = tpu.memref_slice %arg9[%add3A_62, %dma_start3A_101] : memref<10240x128xf32, #tpu.memory_space<vmem_shared>> -> memref<128x128xf32, #tpu.memory_space<vmem_shared>>
      tpu.enqueue_dma source(%arg13 : memref<128x128xf32, #tpu.memory_space<vmem>>) target(%dma_start3A_102 : memref<128x128xf32, #tpu.memory_space<vmem_shared>>) target_semaphore(%run_scoped3A : memref<!tpu.dma_semaphore, #tpu.memory_space<semaphore_mem>>)
      %dma_wait3A = arith.constant 0 : i32
      %dma_wait3A_103 = tpu.memref_slice %arg9[%add3A_62, %dma_wait3A] : memref<10240x128xf32, #tpu.memory_space<vmem_shared>> -> memref<128x128xf32, #tpu.memory_space<vmem_shared>>
      %dma_wait3A_104 = arith.constant 0 : i32
      %dma_wait3A_105 = tpu.memref_slice %arg9[%add3A_62, %dma_wait3A_104] : memref<10240x128xf32, #tpu.memory_space<vmem_shared>> -> memref<128x128xf32, #tpu.memory_space<vmem_shared>>
      tpu.wait_dma2 semaphore(%run_scoped3A : memref<!tpu.dma_semaphore, #tpu.memory_space<semaphore_mem>>) src(%arg13 : memref<128x128xf32, #tpu.memory_space<vmem>>) dst(%dma_wait3A_105 : memref<128x128xf32, #tpu.memory_space<vmem_shared>>)
      tpu.yield
    }) : () -> ()
    %add3A_63 = arith.constant 384 : i32
    %add3A_64 = arith.addi %mul3A_2, %add3A_63 : i32
    "tpu.region"() ({
      %run_scoped3A = tpu.sem_alloc : memref<!tpu.dma_semaphore, #tpu.memory_space<semaphore_mem>>
      %dma_start3A = tpu.memref_slice %arg10[%add3A_64] : memref<10240xf32, #tpu.memory_space<vmem_shared>> -> memref<128xf32, #tpu.memory_space<vmem_shared>>
      %dma_start3A_100 = tpu.memref_slice %arg10[%add3A_64] : memref<10240xf32, #tpu.memory_space<vmem_shared>> -> memref<128xf32, #tpu.memory_space<vmem_shared>>
      tpu.enqueue_dma source(%arg14 : memref<128xf32, #tpu.memory_space<vmem>>) target(%dma_start3A_100 : memref<128xf32, #tpu.memory_space<vmem_shared>>) target_semaphore(%run_scoped3A : memref<!tpu.dma_semaphore, #tpu.memory_space<semaphore_mem>>)
      %dma_wait3A = tpu.memref_slice %arg10[%add3A_64] : memref<10240xf32, #tpu.memory_space<vmem_shared>> -> memref<128xf32, #tpu.memory_space<vmem_shared>>
      %dma_wait3A_101 = tpu.memref_slice %arg10[%add3A_64] : memref<10240xf32, #tpu.memory_space<vmem_shared>> -> memref<128xf32, #tpu.memory_space<vmem_shared>>
      tpu.wait_dma2 semaphore(%run_scoped3A : memref<!tpu.dma_semaphore, #tpu.memory_space<semaphore_mem>>) src(%arg14 : memref<128xf32, #tpu.memory_space<vmem>>) dst(%dma_wait3A_101 : memref<128xf32, #tpu.memory_space<vmem_shared>>)
      tpu.yield
    }) : () -> ()
    %add3A_65 = arith.constant 512 : i32
    %add3A_66 = arith.addi %mul3A_2, %add3A_65 : i32
    "tpu.region"() ({
      %run_scoped3A = tpu.sem_alloc : memref<!tpu.dma_semaphore, #tpu.memory_space<semaphore_mem>>
      %dma_start3A = arith.constant 0 : i32
      %dma_start3A_100 = tpu.memref_slice %arg9[%add3A_66, %dma_start3A] : memref<10240x128xf32, #tpu.memory_space<vmem_shared>> -> memref<128x128xf32, #tpu.memory_space<vmem_shared>>
      %dma_start3A_101 = arith.constant 0 : i32
      %dma_start3A_102 = tpu.memref_slice %arg9[%add3A_66, %dma_start3A_101] : memref<10240x128xf32, #tpu.memory_space<vmem_shared>> -> memref<128x128xf32, #tpu.memory_space<vmem_shared>>
      tpu.enqueue_dma source(%arg13 : memref<128x128xf32, #tpu.memory_space<vmem>>) target(%dma_start3A_102 : memref<128x128xf32, #tpu.memory_space<vmem_shared>>) target_semaphore(%run_scoped3A : memref<!tpu.dma_semaphore, #tpu.memory_space<semaphore_mem>>)
      %dma_wait3A = arith.constant 0 : i32
      %dma_wait3A_103 = tpu.memref_slice %arg9[%add3A_66, %dma_wait3A] : memref<10240x128xf32, #tpu.memory_space<vmem_shared>> -> memref<128x128xf32, #tpu.memory_space<vmem_shared>>
      %dma_wait3A_104 = arith.constant 0 : i32
      %dma_wait3A_105 = tpu.memref_slice %arg9[%add3A_66, %dma_wait3A_104] : memref<10240x128xf32, #tpu.memory_space<vmem_shared>> -> memref<128x128xf32, #tpu.memory_space<vmem_shared>>
      tpu.wait_dma2 semaphore(%run_scoped3A : memref<!tpu.dma_semaphore, #tpu.memory_space<semaphore_mem>>) src(%arg13 : memref<128x128xf32, #tpu.memory_space<vmem>>) dst(%dma_wait3A_105 : memref<128x128xf32, #tpu.memory_space<vmem_shared>>)
      tpu.yield
    }) : () -> ()
    %add3A_67 = arith.constant 512 : i32
    %add3A_68 = arith.addi %mul3A_2, %add3A_67 : i32
    "tpu.region"() ({
      %run_scoped3A = tpu.sem_alloc : memref<!tpu.dma_semaphore, #tpu.memory_space<semaphore_mem>>
      %dma_start3A = tpu.memref_slice %arg10[%add3A_68] : memref<10240xf32, #tpu.memory_space<vmem_shared>> -> memref<128xf32, #tpu.memory_space<vmem_shared>>
      %dma_start3A_100 = tpu.memref_slice %arg10[%add3A_68] : memref<10240xf32, #tpu.memory_space<vmem_shared>> -> memref<128xf32, #tpu.memory_space<vmem_shared>>
      tpu.enqueue_dma source(%arg14 : memref<128xf32, #tpu.memory_space<vmem>>) target(%dma_start3A_100 : memref<128xf32, #tpu.memory_space<vmem_shared>>) target_semaphore(%run_scoped3A : memref<!tpu.dma_semaphore, #tpu.memory_space<semaphore_mem>>)
      %dma_wait3A = tpu.memref_slice %arg10[%add3A_68] : memref<10240xf32, #tpu.memory_space<vmem_shared>> -> memref<128xf32, #tpu.memory_space<vmem_shared>>
      %dma_wait3A_101 = tpu.memref_slice %arg10[%add3A_68] : memref<10240xf32, #tpu.memory_space<vmem_shared>> -> memref<128xf32, #tpu.memory_space<vmem_shared>>
      tpu.wait_dma2 semaphore(%run_scoped3A : memref<!tpu.dma_semaphore, #tpu.memory_space<semaphore_mem>>) src(%arg14 : memref<128xf32, #tpu.memory_space<vmem>>) dst(%dma_wait3A_101 : memref<128xf32, #tpu.memory_space<vmem_shared>>)
      tpu.yield
    }) : () -> ()
    %barrier3A = arith.constant 0 : index
    tpu.barrier barrier_id(%barrier3A)
    %scan3A = arith.constant 0 : i32
    %scan3A_69 = arith.constant 0 : i32
    %scan3A_70 = arith.constant 79 : i32
    %scan3A_71 = arith.addi %scan3A_69, %scan3A_70 : i32
    %scan3A_72 = arith.constant 1 : i32
    scf.for %scan3A_100 = %scan3A_69 to %scan3A_71 step %scan3A_72  : i32 {
      %dma_start3A = arith.constant 0 : i32
      %dma_start3A_101 = tpu.memref_slice %arg11[%scan3A_100, %dma_start3A] : memref<79x128xi32, #tpu.memory_space<vmem>> -> memref<1x128xi32, #tpu.memory_space<vmem>>
      %dma_start3A_102 = tpu.memref_squeeze %dma_start3A_101 : memref<1x128xi32, #tpu.memory_space<vmem>> -> memref<128xi32, #tpu.memory_space<vmem>>
      %dma_start3A_103 = arith.constant 0 : i32
      %dma_start3A_104 = arith.constant 0 : i32
      %dma_start3A_105 = tpu.memref_slice %arg2[%dma_start3A_103, %dma_start3A_104] : memref<10240x128xf32, #tpu.memory_space<hbm>> -> memref<10240x128xf32, #tpu.memory_space<hbm>>
      tpu.enqueue_indirect_dma source(%dma_start3A_105 : memref<10240x128xf32, #tpu.memory_space<hbm>>) target(%arg13 : memref<128x128xf32, #tpu.memory_space<vmem>>) offsets(%dma_start3A_102 : memref<128xi32, #tpu.memory_space<vmem>>) semaphore(%arg15 : memref<!tpu.dma_semaphore, #tpu.memory_space<semaphore_mem>>)
      %dma_start3A_106 = arith.constant 0 : i32
      %dma_start3A_107 = tpu.memref_slice %arg12[%scan3A_100, %dma_start3A_106] : memref<79x128xi32, #tpu.memory_space<vmem>> -> memref<1x128xi32, #tpu.memory_space<vmem>>
      %dma_start3A_108 = tpu.memref_squeeze %dma_start3A_107 : memref<1x128xi32, #tpu.memory_space<vmem>> -> memref<128xi32, #tpu.memory_space<vmem>>
      %dma_start3A_109 = arith.constant 0 : i32
      %dma_start3A_110 = tpu.memref_slice %arg3[%dma_start3A_109] : memref<10240xf32, #tpu.memory_space<hbm>> -> memref<10240xf32, #tpu.memory_space<hbm>>
      tpu.enqueue_indirect_dma source(%dma_start3A_110 : memref<10240xf32, #tpu.memory_space<hbm>>) target(%arg14 : memref<128xf32, #tpu.memory_space<vmem>>) offsets(%dma_start3A_108 : memref<128xi32, #tpu.memory_space<vmem>>) semaphore(%arg16 : memref<!tpu.dma_semaphore, #tpu.memory_space<semaphore_mem>>)
      %dma_wait3A = arith.constant 0 : i32
      %dma_wait3A_111 = tpu.memref_slice %arg12[%scan3A_100, %dma_wait3A] : memref<79x128xi32, #tpu.memory_space<vmem>> -> memref<1x128xi32, #tpu.memory_space<vmem>>
      %dma_wait3A_112 = tpu.memref_squeeze %dma_wait3A_111 : memref<1x128xi32, #tpu.memory_space<vmem>> -> memref<128xi32, #tpu.memory_space<vmem>>
      %dma_wait3A_113 = arith.constant 0 : i32
      %dma_wait3A_114 = tpu.memref_slice %arg3[%dma_wait3A_113] : memref<10240xf32, #tpu.memory_space<hbm>> -> memref<10240xf32, #tpu.memory_space<hbm>>
      tpu.wait_indirect_dma semaphore(%arg16 : memref<!tpu.dma_semaphore, #tpu.memory_space<semaphore_mem>>) src(%dma_wait3A_114 : memref<10240xf32, #tpu.memory_space<hbm>>) dst(%arg14 : memref<128xf32, #tpu.memory_space<vmem>>)
      "tpu.region"() ({
        %run_scoped3A = tpu.sem_alloc : memref<!tpu.dma_semaphore, #tpu.memory_space<semaphore_mem>>
        %dma_start3A_121 = arith.constant 0 : i32
        %dma_start3A_122 = tpu.memref_slice %arg11[%scan3A_100, %dma_start3A_121] : memref<79x128xi32, #tpu.memory_space<vmem>> -> memref<1x128xi32, #tpu.memory_space<vmem>>
        %dma_start3A_123 = tpu.memref_squeeze %dma_start3A_122 : memref<1x128xi32, #tpu.memory_space<vmem>> -> memref<128xi32, #tpu.memory_space<vmem>>
        %dma_start3A_124 = arith.constant 0 : i32
        %dma_start3A_125 = tpu.memref_slice %arg10[%dma_start3A_124] : memref<10240xf32, #tpu.memory_space<vmem_shared>> -> memref<10240xf32, #tpu.memory_space<vmem_shared>>
        tpu.enqueue_indirect_dma source(%arg14 : memref<128xf32, #tpu.memory_space<vmem>>) target(%dma_start3A_125 : memref<10240xf32, #tpu.memory_space<vmem_shared>>) offsets(%dma_start3A_123 : memref<128xi32, #tpu.memory_space<vmem>>) semaphore(%run_scoped3A : memref<!tpu.dma_semaphore, #tpu.memory_space<semaphore_mem>>) {add = true}
        %dma_wait3A_126 = arith.constant 0 : i32
        %dma_wait3A_127 = tpu.memref_slice %arg11[%scan3A_100, %dma_wait3A_126] : memref<79x128xi32, #tpu.memory_space<vmem>> -> memref<1x128xi32, #tpu.memory_space<vmem>>
        %dma_wait3A_128 = tpu.memref_squeeze %dma_wait3A_127 : memref<1x128xi32, #tpu.memory_space<vmem>> -> memref<128xi32, #tpu.memory_space<vmem>>
        %dma_wait3A_129 = arith.constant 0 : i32
        %dma_wait3A_130 = tpu.memref_slice %arg10[%dma_wait3A_129] : memref<10240xf32, #tpu.memory_space<vmem_shared>> -> memref<10240xf32, #tpu.memory_space<vmem_shared>>
        tpu.wait_indirect_dma semaphore(%run_scoped3A : memref<!tpu.dma_semaphore, #tpu.memory_space<semaphore_mem>>) src(%arg14 : memref<128xf32, #tpu.memory_space<vmem>>) dst(%dma_wait3A_130 : memref<10240xf32, #tpu.memory_space<vmem_shared>>)
        tpu.yield
      }) : () -> ()
      %dma_wait3A_115 = arith.constant 0 : i32
      %dma_wait3A_116 = tpu.memref_slice %arg11[%scan3A_100, %dma_wait3A_115] : memref<79x128xi32, #tpu.memory_space<vmem>> -> memref<1x128xi32, #tpu.memory_space<vmem>>
      %dma_wait3A_117 = tpu.memref_squeeze %dma_wait3A_116 : memref<1x128xi32, #tpu.memory_space<vmem>> -> memref<128xi32, #tpu.memory_space<vmem>>
      %dma_wait3A_118 = arith.constant 0 : i32
      %dma_wait3A_119 = arith.constant 0 : i32
      %dma_wait3A_120 = tpu.memref_slice %arg2[%dma_wait3A_118, %dma_wait3A_119] : memref<10240x128xf32, #tpu.memory_space<hbm>> -> memref<10240x128xf32, #tpu.memory_space<hbm>>
      tpu.wait_indirect_dma semaphore(%arg15 : memref<!tpu.dma_semaphore, #tpu.memory_space<semaphore_mem>>) src(%dma_wait3A_120 : memref<10240x128xf32, #tpu.memory_space<hbm>>) dst(%arg13 : memref<128x128xf32, #tpu.memory_space<vmem>>)
      "tpu.region"() ({
        %run_scoped3A = tpu.sem_alloc : memref<!tpu.dma_semaphore, #tpu.memory_space<semaphore_mem>>
        %dma_start3A_121 = arith.constant 0 : i32
        %dma_start3A_122 = tpu.memref_slice %arg12[%scan3A_100, %dma_start3A_121] : memref<79x128xi32, #tpu.memory_space<vmem>> -> memref<1x128xi32, #tpu.memory_space<vmem>>
        %dma_start3A_123 = tpu.memref_squeeze %dma_start3A_122 : memref<1x128xi32, #tpu.memory_space<vmem>> -> memref<128xi32, #tpu.memory_space<vmem>>
        %dma_start3A_124 = arith.constant 0 : i32
        %dma_start3A_125 = arith.constant 0 : i32
        %dma_start3A_126 = tpu.memref_slice %arg9[%dma_start3A_124, %dma_start3A_125] : memref<10240x128xf32, #tpu.memory_space<vmem_shared>> -> memref<10240x128xf32, #tpu.memory_space<vmem_shared>>
        tpu.enqueue_indirect_dma source(%arg13 : memref<128x128xf32, #tpu.memory_space<vmem>>) target(%dma_start3A_126 : memref<10240x128xf32, #tpu.memory_space<vmem_shared>>) offsets(%dma_start3A_123 : memref<128xi32, #tpu.memory_space<vmem>>) semaphore(%run_scoped3A : memref<!tpu.dma_semaphore, #tpu.memory_space<semaphore_mem>>) {add = true}
        %dma_wait3A_127 = arith.constant 0 : i32
        %dma_wait3A_128 = tpu.memref_slice %arg12[%scan3A_100, %dma_wait3A_127] : memref<79x128xi32, #tpu.memory_space<vmem>> -> memref<1x128xi32, #tpu.memory_space<vmem>>
        %dma_wait3A_129 = tpu.memref_squeeze %dma_wait3A_128 : memref<1x128xi32, #tpu.memory_space<vmem>> -> memref<128xi32, #tpu.memory_space<vmem>>
        %dma_wait3A_130 = arith.constant 0 : i32
        %dma_wait3A_131 = arith.constant 0 : i32
        %dma_wait3A_132 = tpu.memref_slice %arg9[%dma_wait3A_130, %dma_wait3A_131] : memref<10240x128xf32, #tpu.memory_space<vmem_shared>> -> memref<10240x128xf32, #tpu.memory_space<vmem_shared>>
        tpu.wait_indirect_dma semaphore(%run_scoped3A : memref<!tpu.dma_semaphore, #tpu.memory_space<semaphore_mem>>) src(%arg13 : memref<128x128xf32, #tpu.memory_space<vmem>>) dst(%dma_wait3A_132 : memref<10240x128xf32, #tpu.memory_space<vmem_shared>>)
        tpu.yield
      }) : () -> ()
    }
    %scan3A_73 = arith.constant 79 : i32
    %barrier3A_74 = arith.constant 0 : index
    tpu.barrier barrier_id(%barrier3A_74)
    %add3A_75 = arith.constant 0 : i32
    %add3A_76 = arith.addi %mul3A_2, %add3A_75 : i32
    "tpu.region"() ({
      %run_scoped3A = tpu.sem_alloc : memref<!tpu.dma_semaphore, #tpu.memory_space<semaphore_mem>>
      %dma_start3A = arith.constant 0 : i32
      %dma_start3A_100 = tpu.memref_slice %arg9[%add3A_76, %dma_start3A] : memref<10240x128xf32, #tpu.memory_space<vmem_shared>> -> memref<128x128xf32, #tpu.memory_space<vmem_shared>>
      %dma_start3A_101 = arith.constant 0 : i32
      %dma_start3A_102 = tpu.memref_slice %arg9[%add3A_76, %dma_start3A_101] : memref<10240x128xf32, #tpu.memory_space<vmem_shared>> -> memref<128x128xf32, #tpu.memory_space<vmem_shared>>
      tpu.enqueue_dma source(%dma_start3A_102 : memref<128x128xf32, #tpu.memory_space<vmem_shared>>) target(%arg13 : memref<128x128xf32, #tpu.memory_space<vmem>>) target_semaphore(%run_scoped3A : memref<!tpu.dma_semaphore, #tpu.memory_space<semaphore_mem>>)
      %dma_wait3A = arith.constant 0 : i32
      %dma_wait3A_103 = tpu.memref_slice %arg9[%add3A_76, %dma_wait3A] : memref<10240x128xf32, #tpu.memory_space<vmem_shared>> -> memref<128x128xf32, #tpu.memory_space<vmem_shared>>
      %dma_wait3A_104 = arith.constant 0 : i32
      %dma_wait3A_105 = tpu.memref_slice %arg9[%add3A_76, %dma_wait3A_104] : memref<10240x128xf32, #tpu.memory_space<vmem_shared>> -> memref<128x128xf32, #tpu.memory_space<vmem_shared>>
      tpu.wait_dma2 semaphore(%run_scoped3A : memref<!tpu.dma_semaphore, #tpu.memory_space<semaphore_mem>>) src(%dma_wait3A_105 : memref<128x128xf32, #tpu.memory_space<vmem_shared>>) dst(%arg13 : memref<128x128xf32, #tpu.memory_space<vmem>>)
      tpu.yield
    }) : () -> ()
    "tpu.region"() ({
      %run_scoped3A = tpu.sem_alloc : memref<!tpu.dma_semaphore, #tpu.memory_space<semaphore_mem>>
      %dma_start3A = arith.constant 0 : i32
      %dma_start3A_100 = tpu.memref_slice %arg7[%arg0, %add3A_76, %dma_start3A] : memref<2x10240x128xf32, #tpu.memory_space<hbm>> -> memref<1x128x128xf32, #tpu.memory_space<hbm>>
      %dma_start3A_101 = tpu.memref_squeeze %dma_start3A_100 : memref<1x128x128xf32, #tpu.memory_space<hbm>> -> memref<128x128xf32, #tpu.memory_space<hbm>>
      %dma_start3A_102 = arith.constant 0 : i32
      %dma_start3A_103 = tpu.memref_slice %arg7[%arg0, %add3A_76, %dma_start3A_102] : memref<2x10240x128xf32, #tpu.memory_space<hbm>> -> memref<1x128x128xf32, #tpu.memory_space<hbm>>
      %dma_start3A_104 = tpu.memref_squeeze %dma_start3A_103 : memref<1x128x128xf32, #tpu.memory_space<hbm>> -> memref<128x128xf32, #tpu.memory_space<hbm>>
      tpu.enqueue_dma source(%arg13 : memref<128x128xf32, #tpu.memory_space<vmem>>) target(%dma_start3A_104 : memref<128x128xf32, #tpu.memory_space<hbm>>) target_semaphore(%run_scoped3A : memref<!tpu.dma_semaphore, #tpu.memory_space<semaphore_mem>>)
      %dma_wait3A = arith.constant 0 : i32
      %dma_wait3A_105 = tpu.memref_slice %arg7[%arg0, %add3A_76, %dma_wait3A] : memref<2x10240x128xf32, #tpu.memory_space<hbm>> -> memref<1x128x128xf32, #tpu.memory_space<hbm>>
      %dma_wait3A_106 = tpu.memref_squeeze %dma_wait3A_105 : memref<1x128x128xf32, #tpu.memory_space<hbm>> -> memref<128x128xf32, #tpu.memory_space<hbm>>
      %dma_wait3A_107 = arith.constant 0 : i32
      %dma_wait3A_108 = tpu.memref_slice %arg7[%arg0, %add3A_76, %dma_wait3A_107] : memref<2x10240x128xf32, #tpu.memory_space<hbm>> -> memref<1x128x128xf32, #tpu.memory_space<hbm>>
      %dma_wait3A_109 = tpu.memref_squeeze %dma_wait3A_108 : memref<1x128x128xf32, #tpu.memory_space<hbm>> -> memref<128x128xf32, #tpu.memory_space<hbm>>
      tpu.wait_dma2 semaphore(%run_scoped3A : memref<!tpu.dma_semaphore, #tpu.memory_space<semaphore_mem>>) src(%arg13 : memref<128x128xf32, #tpu.memory_space<vmem>>) dst(%dma_wait3A_109 : memref<128x128xf32, #tpu.memory_space<hbm>>)
      tpu.yield
    }) : () -> ()
    "tpu.region"() ({
      %run_scoped3A = tpu.sem_alloc : memref<!tpu.dma_semaphore, #tpu.memory_space<semaphore_mem>>
      %dma_start3A = tpu.memref_slice %arg10[%add3A_76] : memref<10240xf32, #tpu.memory_space<vmem_shared>> -> memref<128xf32, #tpu.memory_space<vmem_shared>>
      %dma_start3A_100 = tpu.memref_slice %arg10[%add3A_76] : memref<10240xf32, #tpu.memory_space<vmem_shared>> -> memref<128xf32, #tpu.memory_space<vmem_shared>>
      tpu.enqueue_dma source(%dma_start3A_100 : memref<128xf32, #tpu.memory_space<vmem_shared>>) target(%arg14 : memref<128xf32, #tpu.memory_space<vmem>>) target_semaphore(%run_scoped3A : memref<!tpu.dma_semaphore, #tpu.memory_space<semaphore_mem>>)
      %dma_wait3A = tpu.memref_slice %arg10[%add3A_76] : memref<10240xf32, #tpu.memory_space<vmem_shared>> -> memref<128xf32, #tpu.memory_space<vmem_shared>>
      %dma_wait3A_101 = tpu.memref_slice %arg10[%add3A_76] : memref<10240xf32, #tpu.memory_space<vmem_shared>> -> memref<128xf32, #tpu.memory_space<vmem_shared>>
      tpu.wait_dma2 semaphore(%run_scoped3A : memref<!tpu.dma_semaphore, #tpu.memory_space<semaphore_mem>>) src(%dma_wait3A_101 : memref<128xf32, #tpu.memory_space<vmem_shared>>) dst(%arg14 : memref<128xf32, #tpu.memory_space<vmem>>)
      tpu.yield
    }) : () -> ()
    %mul3A_77 = arith.constant 10240 : i32
    %mul3A_78 = arith.muli %arg0, %mul3A_77 : i32
    %add3A_79 = arith.addi %mul3A_78, %add3A_76 : i32
    "tpu.region"() ({
      %run_scoped3A = tpu.sem_alloc : memref<!tpu.dma_semaphore, #tpu.memory_space<semaphore_mem>>
      %dma_start3A = tpu.memref_slice %arg8[%add3A_79] : memref<20480xf32, #tpu.memory_space<hbm>> -> memref<128xf32, #tpu.memory_space<hbm>>
      %dma_start3A_100 = tpu.memref_slice %arg8[%add3A_79] : memref<20480xf32, #tpu.memory_space<hbm>> -> memref<128xf32, #tpu.memory_space<hbm>>
      tpu.enqueue_dma source(%arg14 : memref<128xf32, #tpu.memory_space<vmem>>) target(%dma_start3A_100 : memref<128xf32, #tpu.memory_space<hbm>>) target_semaphore(%run_scoped3A : memref<!tpu.dma_semaphore, #tpu.memory_space<semaphore_mem>>)
      %dma_wait3A = tpu.memref_slice %arg8[%add3A_79] : memref<20480xf32, #tpu.memory_space<hbm>> -> memref<128xf32, #tpu.memory_space<hbm>>
      %dma_wait3A_101 = tpu.memref_slice %arg8[%add3A_79] : memref<20480xf32, #tpu.memory_space<hbm>> -> memref<128xf32, #tpu.memory_space<hbm>>
      tpu.wait_dma2 semaphore(%run_scoped3A : memref<!tpu.dma_semaphore, #tpu.memory_space<semaphore_mem>>) src(%arg14 : memref<128xf32, #tpu.memory_space<vmem>>) dst(%dma_wait3A_101 : memref<128xf32, #tpu.memory_space<hbm>>)
      tpu.yield
    }) : () -> ()
    %add3A_80 = arith.constant 128 : i32
    %add3A_81 = arith.addi %mul3A_2, %add3A_80 : i32
    "tpu.region"() ({
      %run_scoped3A = tpu.sem_alloc : memref<!tpu.dma_semaphore, #tpu.memory_space<semaphore_mem>>
      %dma_start3A = arith.constant 0 : i32
      %dma_start3A_100 = tpu.memref_slice %arg9[%add3A_81, %dma_start3A] : memref<10240x128xf32, #tpu.memory_space<vmem_shared>> -> memref<128x128xf32, #tpu.memory_space<vmem_shared>>
      %dma_start3A_101 = arith.constant 0 : i32
      %dma_start3A_102 = tpu.memref_slice %arg9[%add3A_81, %dma_start3A_101] : memref<10240x128xf32, #tpu.memory_space<vmem_shared>> -> memref<128x128xf32, #tpu.memory_space<vmem_shared>>
      tpu.enqueue_dma source(%dma_start3A_102 : memref<128x128xf32, #tpu.memory_space<vmem_shared>>) target(%arg13 : memref<128x128xf32, #tpu.memory_space<vmem>>) target_semaphore(%run_scoped3A : memref<!tpu.dma_semaphore, #tpu.memory_space<semaphore_mem>>)
      %dma_wait3A = arith.constant 0 : i32
      %dma_wait3A_103 = tpu.memref_slice %arg9[%add3A_81, %dma_wait3A] : memref<10240x128xf32, #tpu.memory_space<vmem_shared>> -> memref<128x128xf32, #tpu.memory_space<vmem_shared>>
      %dma_wait3A_104 = arith.constant 0 : i32
      %dma_wait3A_105 = tpu.memref_slice %arg9[%add3A_81, %dma_wait3A_104] : memref<10240x128xf32, #tpu.memory_space<vmem_shared>> -> memref<128x128xf32, #tpu.memory_space<vmem_shared>>
      tpu.wait_dma2 semaphore(%run_scoped3A : memref<!tpu.dma_semaphore, #tpu.memory_space<semaphore_mem>>) src(%dma_wait3A_105 : memref<128x128xf32, #tpu.memory_space<vmem_shared>>) dst(%arg13 : memref<128x128xf32, #tpu.memory_space<vmem>>)
      tpu.yield
    }) : () -> ()
    "tpu.region"() ({
      %run_scoped3A = tpu.sem_alloc : memref<!tpu.dma_semaphore, #tpu.memory_space<semaphore_mem>>
      %dma_start3A = arith.constant 0 : i32
      %dma_start3A_100 = tpu.memref_slice %arg7[%arg0, %add3A_81, %dma_start3A] : memref<2x10240x128xf32, #tpu.memory_space<hbm>> -> memref<1x128x128xf32, #tpu.memory_space<hbm>>
      %dma_start3A_101 = tpu.memref_squeeze %dma_start3A_100 : memref<1x128x128xf32, #tpu.memory_space<hbm>> -> memref<128x128xf32, #tpu.memory_space<hbm>>
      %dma_start3A_102 = arith.constant 0 : i32
      %dma_start3A_103 = tpu.memref_slice %arg7[%arg0, %add3A_81, %dma_start3A_102] : memref<2x10240x128xf32, #tpu.memory_space<hbm>> -> memref<1x128x128xf32, #tpu.memory_space<hbm>>
      %dma_start3A_104 = tpu.memref_squeeze %dma_start3A_103 : memref<1x128x128xf32, #tpu.memory_space<hbm>> -> memref<128x128xf32, #tpu.memory_space<hbm>>
      tpu.enqueue_dma source(%arg13 : memref<128x128xf32, #tpu.memory_space<vmem>>) target(%dma_start3A_104 : memref<128x128xf32, #tpu.memory_space<hbm>>) target_semaphore(%run_scoped3A : memref<!tpu.dma_semaphore, #tpu.memory_space<semaphore_mem>>)
      %dma_wait3A = arith.constant 0 : i32
      %dma_wait3A_105 = tpu.memref_slice %arg7[%arg0, %add3A_81, %dma_wait3A] : memref<2x10240x128xf32, #tpu.memory_space<hbm>> -> memref<1x128x128xf32, #tpu.memory_space<hbm>>
      %dma_wait3A_106 = tpu.memref_squeeze %dma_wait3A_105 : memref<1x128x128xf32, #tpu.memory_space<hbm>> -> memref<128x128xf32, #tpu.memory_space<hbm>>
      %dma_wait3A_107 = arith.constant 0 : i32
      %dma_wait3A_108 = tpu.memref_slice %arg7[%arg0, %add3A_81, %dma_wait3A_107] : memref<2x10240x128xf32, #tpu.memory_space<hbm>> -> memref<1x128x128xf32, #tpu.memory_space<hbm>>
      %dma_wait3A_109 = tpu.memref_squeeze %dma_wait3A_108 : memref<1x128x128xf32, #tpu.memory_space<hbm>> -> memref<128x128xf32, #tpu.memory_space<hbm>>
      tpu.wait_dma2 semaphore(%run_scoped3A : memref<!tpu.dma_semaphore, #tpu.memory_space<semaphore_mem>>) src(%arg13 : memref<128x128xf32, #tpu.memory_space<vmem>>) dst(%dma_wait3A_109 : memref<128x128xf32, #tpu.memory_space<hbm>>)
      tpu.yield
    }) : () -> ()
    "tpu.region"() ({
      %run_scoped3A = tpu.sem_alloc : memref<!tpu.dma_semaphore, #tpu.memory_space<semaphore_mem>>
      %dma_start3A = tpu.memref_slice %arg10[%add3A_81] : memref<10240xf32, #tpu.memory_space<vmem_shared>> -> memref<128xf32, #tpu.memory_space<vmem_shared>>
      %dma_start3A_100 = tpu.memref_slice %arg10[%add3A_81] : memref<10240xf32, #tpu.memory_space<vmem_shared>> -> memref<128xf32, #tpu.memory_space<vmem_shared>>
      tpu.enqueue_dma source(%dma_start3A_100 : memref<128xf32, #tpu.memory_space<vmem_shared>>) target(%arg14 : memref<128xf32, #tpu.memory_space<vmem>>) target_semaphore(%run_scoped3A : memref<!tpu.dma_semaphore, #tpu.memory_space<semaphore_mem>>)
      %dma_wait3A = tpu.memref_slice %arg10[%add3A_81] : memref<10240xf32, #tpu.memory_space<vmem_shared>> -> memref<128xf32, #tpu.memory_space<vmem_shared>>
      %dma_wait3A_101 = tpu.memref_slice %arg10[%add3A_81] : memref<10240xf32, #tpu.memory_space<vmem_shared>> -> memref<128xf32, #tpu.memory_space<vmem_shared>>
      tpu.wait_dma2 semaphore(%run_scoped3A : memref<!tpu.dma_semaphore, #tpu.memory_space<semaphore_mem>>) src(%dma_wait3A_101 : memref<128xf32, #tpu.memory_space<vmem_shared>>) dst(%arg14 : memref<128xf32, #tpu.memory_space<vmem>>)
      tpu.yield
    }) : () -> ()
    %mul3A_82 = arith.constant 10240 : i32
    %mul3A_83 = arith.muli %arg0, %mul3A_82 : i32
    %add3A_84 = arith.addi %mul3A_83, %add3A_81 : i32
    "tpu.region"() ({
      %run_scoped3A = tpu.sem_alloc : memref<!tpu.dma_semaphore, #tpu.memory_space<semaphore_mem>>
      %dma_start3A = tpu.memref_slice %arg8[%add3A_84] : memref<20480xf32, #tpu.memory_space<hbm>> -> memref<128xf32, #tpu.memory_space<hbm>>
      %dma_start3A_100 = tpu.memref_slice %arg8[%add3A_84] : memref<20480xf32, #tpu.memory_space<hbm>> -> memref<128xf32, #tpu.memory_space<hbm>>
      tpu.enqueue_dma source(%arg14 : memref<128xf32, #tpu.memory_space<vmem>>) target(%dma_start3A_100 : memref<128xf32, #tpu.memory_space<hbm>>) target_semaphore(%run_scoped3A : memref<!tpu.dma_semaphore, #tpu.memory_space<semaphore_mem>>)
      %dma_wait3A = tpu.memref_slice %arg8[%add3A_84] : memref<20480xf32, #tpu.memory_space<hbm>> -> memref<128xf32, #tpu.memory_space<hbm>>
      %dma_wait3A_101 = tpu.memref_slice %arg8[%add3A_84] : memref<20480xf32, #tpu.memory_space<hbm>> -> memref<128xf32, #tpu.memory_space<hbm>>
      tpu.wait_dma2 semaphore(%run_scoped3A : memref<!tpu.dma_semaphore, #tpu.memory_space<semaphore_mem>>) src(%arg14 : memref<128xf32, #tpu.memory_space<vmem>>) dst(%dma_wait3A_101 : memref<128xf32, #tpu.memory_space<hbm>>)
      tpu.yield
    }) : () -> ()
    %add3A_85 = arith.constant 256 : i32
    %add3A_86 = arith.addi %mul3A_2, %add3A_85 : i32
    "tpu.region"() ({
      %run_scoped3A = tpu.sem_alloc : memref<!tpu.dma_semaphore, #tpu.memory_space<semaphore_mem>>
      %dma_start3A = arith.constant 0 : i32
      %dma_start3A_100 = tpu.memref_slice %arg9[%add3A_86, %dma_start3A] : memref<10240x128xf32, #tpu.memory_space<vmem_shared>> -> memref<128x128xf32, #tpu.memory_space<vmem_shared>>
      %dma_start3A_101 = arith.constant 0 : i32
      %dma_start3A_102 = tpu.memref_slice %arg9[%add3A_86, %dma_start3A_101] : memref<10240x128xf32, #tpu.memory_space<vmem_shared>> -> memref<128x128xf32, #tpu.memory_space<vmem_shared>>
      tpu.enqueue_dma source(%dma_start3A_102 : memref<128x128xf32, #tpu.memory_space<vmem_shared>>) target(%arg13 : memref<128x128xf32, #tpu.memory_space<vmem>>) target_semaphore(%run_scoped3A : memref<!tpu.dma_semaphore, #tpu.memory_space<semaphore_mem>>)
      %dma_wait3A = arith.constant 0 : i32
      %dma_wait3A_103 = tpu.memref_slice %arg9[%add3A_86, %dma_wait3A] : memref<10240x128xf32, #tpu.memory_space<vmem_shared>> -> memref<128x128xf32, #tpu.memory_space<vmem_shared>>
      %dma_wait3A_104 = arith.constant 0 : i32
      %dma_wait3A_105 = tpu.memref_slice %arg9[%add3A_86, %dma_wait3A_104] : memref<10240x128xf32, #tpu.memory_space<vmem_shared>> -> memref<128x128xf32, #tpu.memory_space<vmem_shared>>
      tpu.wait_dma2 semaphore(%run_scoped3A : memref<!tpu.dma_semaphore, #tpu.memory_space<semaphore_mem>>) src(%dma_wait3A_105 : memref<128x128xf32, #tpu.memory_space<vmem_shared>>) dst(%arg13 : memref<128x128xf32, #tpu.memory_space<vmem>>)
      tpu.yield
    }) : () -> ()
    "tpu.region"() ({
      %run_scoped3A = tpu.sem_alloc : memref<!tpu.dma_semaphore, #tpu.memory_space<semaphore_mem>>
      %dma_start3A = arith.constant 0 : i32
      %dma_start3A_100 = tpu.memref_slice %arg7[%arg0, %add3A_86, %dma_start3A] : memref<2x10240x128xf32, #tpu.memory_space<hbm>> -> memref<1x128x128xf32, #tpu.memory_space<hbm>>
      %dma_start3A_101 = tpu.memref_squeeze %dma_start3A_100 : memref<1x128x128xf32, #tpu.memory_space<hbm>> -> memref<128x128xf32, #tpu.memory_space<hbm>>
      %dma_start3A_102 = arith.constant 0 : i32
      %dma_start3A_103 = tpu.memref_slice %arg7[%arg0, %add3A_86, %dma_start3A_102] : memref<2x10240x128xf32, #tpu.memory_space<hbm>> -> memref<1x128x128xf32, #tpu.memory_space<hbm>>
      %dma_start3A_104 = tpu.memref_squeeze %dma_start3A_103 : memref<1x128x128xf32, #tpu.memory_space<hbm>> -> memref<128x128xf32, #tpu.memory_space<hbm>>
      tpu.enqueue_dma source(%arg13 : memref<128x128xf32, #tpu.memory_space<vmem>>) target(%dma_start3A_104 : memref<128x128xf32, #tpu.memory_space<hbm>>) target_semaphore(%run_scoped3A : memref<!tpu.dma_semaphore, #tpu.memory_space<semaphore_mem>>)
      %dma_wait3A = arith.constant 0 : i32
      %dma_wait3A_105 = tpu.memref_slice %arg7[%arg0, %add3A_86, %dma_wait3A] : memref<2x10240x128xf32, #tpu.memory_space<hbm>> -> memref<1x128x128xf32, #tpu.memory_space<hbm>>
      %dma_wait3A_106 = tpu.memref_squeeze %dma_wait3A_105 : memref<1x128x128xf32, #tpu.memory_space<hbm>> -> memref<128x128xf32, #tpu.memory_space<hbm>>
      %dma_wait3A_107 = arith.constant 0 : i32
      %dma_wait3A_108 = tpu.memref_slice %arg7[%arg0, %add3A_86, %dma_wait3A_107] : memref<2x10240x128xf32, #tpu.memory_space<hbm>> -> memref<1x128x128xf32, #tpu.memory_space<hbm>>
      %dma_wait3A_109 = tpu.memref_squeeze %dma_wait3A_108 : memref<1x128x128xf32, #tpu.memory_space<hbm>> -> memref<128x128xf32, #tpu.memory_space<hbm>>
      tpu.wait_dma2 semaphore(%run_scoped3A : memref<!tpu.dma_semaphore, #tpu.memory_space<semaphore_mem>>) src(%arg13 : memref<128x128xf32, #tpu.memory_space<vmem>>) dst(%dma_wait3A_109 : memref<128x128xf32, #tpu.memory_space<hbm>>)
      tpu.yield
    }) : () -> ()
    "tpu.region"() ({
      %run_scoped3A = tpu.sem_alloc : memref<!tpu.dma_semaphore, #tpu.memory_space<semaphore_mem>>
      %dma_start3A = tpu.memref_slice %arg10[%add3A_86] : memref<10240xf32, #tpu.memory_space<vmem_shared>> -> memref<128xf32, #tpu.memory_space<vmem_shared>>
      %dma_start3A_100 = tpu.memref_slice %arg10[%add3A_86] : memref<10240xf32, #tpu.memory_space<vmem_shared>> -> memref<128xf32, #tpu.memory_space<vmem_shared>>
      tpu.enqueue_dma source(%dma_start3A_100 : memref<128xf32, #tpu.memory_space<vmem_shared>>) target(%arg14 : memref<128xf32, #tpu.memory_space<vmem>>) target_semaphore(%run_scoped3A : memref<!tpu.dma_semaphore, #tpu.memory_space<semaphore_mem>>)
      %dma_wait3A = tpu.memref_slice %arg10[%add3A_86] : memref<10240xf32, #tpu.memory_space<vmem_shared>> -> memref<128xf32, #tpu.memory_space<vmem_shared>>
      %dma_wait3A_101 = tpu.memref_slice %arg10[%add3A_86] : memref<10240xf32, #tpu.memory_space<vmem_shared>> -> memref<128xf32, #tpu.memory_space<vmem_shared>>
      tpu.wait_dma2 semaphore(%run_scoped3A : memref<!tpu.dma_semaphore, #tpu.memory_space<semaphore_mem>>) src(%dma_wait3A_101 : memref<128xf32, #tpu.memory_space<vmem_shared>>) dst(%arg14 : memref<128xf32, #tpu.memory_space<vmem>>)
      tpu.yield
    }) : () -> ()
    %mul3A_87 = arith.constant 10240 : i32
    %mul3A_88 = arith.muli %arg0, %mul3A_87 : i32
    %add3A_89 = arith.addi %mul3A_88, %add3A_86 : i32
    "tpu.region"() ({
      %run_scoped3A = tpu.sem_alloc : memref<!tpu.dma_semaphore, #tpu.memory_space<semaphore_mem>>
      %dma_start3A = tpu.memref_slice %arg8[%add3A_89] : memref<20480xf32, #tpu.memory_space<hbm>> -> memref<128xf32, #tpu.memory_space<hbm>>
      %dma_start3A_100 = tpu.memref_slice %arg8[%add3A_89] : memref<20480xf32, #tpu.memory_space<hbm>> -> memref<128xf32, #tpu.memory_space<hbm>>
      tpu.enqueue_dma source(%arg14 : memref<128xf32, #tpu.memory_space<vmem>>) target(%dma_start3A_100 : memref<128xf32, #tpu.memory_space<hbm>>) target_semaphore(%run_scoped3A : memref<!tpu.dma_semaphore, #tpu.memory_space<semaphore_mem>>)
      %dma_wait3A = tpu.memref_slice %arg8[%add3A_89] : memref<20480xf32, #tpu.memory_space<hbm>> -> memref<128xf32, #tpu.memory_space<hbm>>
      %dma_wait3A_101 = tpu.memref_slice %arg8[%add3A_89] : memref<20480xf32, #tpu.memory_space<hbm>> -> memref<128xf32, #tpu.memory_space<hbm>>
      tpu.wait_dma2 semaphore(%run_scoped3A : memref<!tpu.dma_semaphore, #tpu.memory_space<semaphore_mem>>) src(%arg14 : memref<128xf32, #tpu.memory_space<vmem>>) dst(%dma_wait3A_101 : memref<128xf32, #tpu.memory_space<hbm>>)
      tpu.yield
    }) : () -> ()
    %add3A_90 = arith.constant 384 : i32
    %add3A_91 = arith.addi %mul3A_2, %add3A_90 : i32
    "tpu.region"() ({
      %run_scoped3A = tpu.sem_alloc : memref<!tpu.dma_semaphore, #tpu.memory_space<semaphore_mem>>
      %dma_start3A = arith.constant 0 : i32
      %dma_start3A_100 = tpu.memref_slice %arg9[%add3A_91, %dma_start3A] : memref<10240x128xf32, #tpu.memory_space<vmem_shared>> -> memref<128x128xf32, #tpu.memory_space<vmem_shared>>
      %dma_start3A_101 = arith.constant 0 : i32
      %dma_start3A_102 = tpu.memref_slice %arg9[%add3A_91, %dma_start3A_101] : memref<10240x128xf32, #tpu.memory_space<vmem_shared>> -> memref<128x128xf32, #tpu.memory_space<vmem_shared>>
      tpu.enqueue_dma source(%dma_start3A_102 : memref<128x128xf32, #tpu.memory_space<vmem_shared>>) target(%arg13 : memref<128x128xf32, #tpu.memory_space<vmem>>) target_semaphore(%run_scoped3A : memref<!tpu.dma_semaphore, #tpu.memory_space<semaphore_mem>>)
      %dma_wait3A = arith.constant 0 : i32
      %dma_wait3A_103 = tpu.memref_slice %arg9[%add3A_91, %dma_wait3A] : memref<10240x128xf32, #tpu.memory_space<vmem_shared>> -> memref<128x128xf32, #tpu.memory_space<vmem_shared>>
      %dma_wait3A_104 = arith.constant 0 : i32
      %dma_wait3A_105 = tpu.memref_slice %arg9[%add3A_91, %dma_wait3A_104] : memref<10240x128xf32, #tpu.memory_space<vmem_shared>> -> memref<128x128xf32, #tpu.memory_space<vmem_shared>>
      tpu.wait_dma2 semaphore(%run_scoped3A : memref<!tpu.dma_semaphore, #tpu.memory_space<semaphore_mem>>) src(%dma_wait3A_105 : memref<128x128xf32, #tpu.memory_space<vmem_shared>>) dst(%arg13 : memref<128x128xf32, #tpu.memory_space<vmem>>)
      tpu.yield
    }) : () -> ()
    "tpu.region"() ({
      %run_scoped3A = tpu.sem_alloc : memref<!tpu.dma_semaphore, #tpu.memory_space<semaphore_mem>>
      %dma_start3A = arith.constant 0 : i32
      %dma_start3A_100 = tpu.memref_slice %arg7[%arg0, %add3A_91, %dma_start3A] : memref<2x10240x128xf32, #tpu.memory_space<hbm>> -> memref<1x128x128xf32, #tpu.memory_space<hbm>>
      %dma_start3A_101 = tpu.memref_squeeze %dma_start3A_100 : memref<1x128x128xf32, #tpu.memory_space<hbm>> -> memref<128x128xf32, #tpu.memory_space<hbm>>
      %dma_start3A_102 = arith.constant 0 : i32
      %dma_start3A_103 = tpu.memref_slice %arg7[%arg0, %add3A_91, %dma_start3A_102] : memref<2x10240x128xf32, #tpu.memory_space<hbm>> -> memref<1x128x128xf32, #tpu.memory_space<hbm>>
      %dma_start3A_104 = tpu.memref_squeeze %dma_start3A_103 : memref<1x128x128xf32, #tpu.memory_space<hbm>> -> memref<128x128xf32, #tpu.memory_space<hbm>>
      tpu.enqueue_dma source(%arg13 : memref<128x128xf32, #tpu.memory_space<vmem>>) target(%dma_start3A_104 : memref<128x128xf32, #tpu.memory_space<hbm>>) target_semaphore(%run_scoped3A : memref<!tpu.dma_semaphore, #tpu.memory_space<semaphore_mem>>)
      %dma_wait3A = arith.constant 0 : i32
      %dma_wait3A_105 = tpu.memref_slice %arg7[%arg0, %add3A_91, %dma_wait3A] : memref<2x10240x128xf32, #tpu.memory_space<hbm>> -> memref<1x128x128xf32, #tpu.memory_space<hbm>>
      %dma_wait3A_106 = tpu.memref_squeeze %dma_wait3A_105 : memref<1x128x128xf32, #tpu.memory_space<hbm>> -> memref<128x128xf32, #tpu.memory_space<hbm>>
      %dma_wait3A_107 = arith.constant 0 : i32
      %dma_wait3A_108 = tpu.memref_slice %arg7[%arg0, %add3A_91, %dma_wait3A_107] : memref<2x10240x128xf32, #tpu.memory_space<hbm>> -> memref<1x128x128xf32, #tpu.memory_space<hbm>>
      %dma_wait3A_109 = tpu.memref_squeeze %dma_wait3A_108 : memref<1x128x128xf32, #tpu.memory_space<hbm>> -> memref<128x128xf32, #tpu.memory_space<hbm>>
      tpu.wait_dma2 semaphore(%run_scoped3A : memref<!tpu.dma_semaphore, #tpu.memory_space<semaphore_mem>>) src(%arg13 : memref<128x128xf32, #tpu.memory_space<vmem>>) dst(%dma_wait3A_109 : memref<128x128xf32, #tpu.memory_space<hbm>>)
      tpu.yield
    }) : () -> ()
    "tpu.region"() ({
      %run_scoped3A = tpu.sem_alloc : memref<!tpu.dma_semaphore, #tpu.memory_space<semaphore_mem>>
      %dma_start3A = tpu.memref_slice %arg10[%add3A_91] : memref<10240xf32, #tpu.memory_space<vmem_shared>> -> memref<128xf32, #tpu.memory_space<vmem_shared>>
      %dma_start3A_100 = tpu.memref_slice %arg10[%add3A_91] : memref<10240xf32, #tpu.memory_space<vmem_shared>> -> memref<128xf32, #tpu.memory_space<vmem_shared>>
      tpu.enqueue_dma source(%dma_start3A_100 : memref<128xf32, #tpu.memory_space<vmem_shared>>) target(%arg14 : memref<128xf32, #tpu.memory_space<vmem>>) target_semaphore(%run_scoped3A : memref<!tpu.dma_semaphore, #tpu.memory_space<semaphore_mem>>)
      %dma_wait3A = tpu.memref_slice %arg10[%add3A_91] : memref<10240xf32, #tpu.memory_space<vmem_shared>> -> memref<128xf32, #tpu.memory_space<vmem_shared>>
      %dma_wait3A_101 = tpu.memref_slice %arg10[%add3A_91] : memref<10240xf32, #tpu.memory_space<vmem_shared>> -> memref<128xf32, #tpu.memory_space<vmem_shared>>
      tpu.wait_dma2 semaphore(%run_scoped3A : memref<!tpu.dma_semaphore, #tpu.memory_space<semaphore_mem>>) src(%dma_wait3A_101 : memref<128xf32, #tpu.memory_space<vmem_shared>>) dst(%arg14 : memref<128xf32, #tpu.memory_space<vmem>>)
      tpu.yield
    }) : () -> ()
    %mul3A_92 = arith.constant 10240 : i32
    %mul3A_93 = arith.muli %arg0, %mul3A_92 : i32
    %add3A_94 = arith.addi %mul3A_93, %add3A_91 : i32
    "tpu.region"() ({
      %run_scoped3A = tpu.sem_alloc : memref<!tpu.dma_semaphore, #tpu.memory_space<semaphore_mem>>
      %dma_start3A = tpu.memref_slice %arg8[%add3A_94] : memref<20480xf32, #tpu.memory_space<hbm>> -> memref<128xf32, #tpu.memory_space<hbm>>
      %dma_start3A_100 = tpu.memref_slice %arg8[%add3A_94] : memref<20480xf32, #tpu.memory_space<hbm>> -> memref<128xf32, #tpu.memory_space<hbm>>
      tpu.enqueue_dma source(%arg14 : memref<128xf32, #tpu.memory_space<vmem>>) target(%dma_start3A_100 : memref<128xf32, #tpu.memory_space<hbm>>) target_semaphore(%run_scoped3A : memref<!tpu.dma_semaphore, #tpu.memory_space<semaphore_mem>>)
      %dma_wait3A = tpu.memref_slice %arg8[%add3A_94] : memref<20480xf32, #tpu.memory_space<hbm>> -> memref<128xf32, #tpu.memory_space<hbm>>
      %dma_wait3A_101 = tpu.memref_slice %arg8[%add3A_94] : memref<20480xf32, #tpu.memory_space<hbm>> -> memref<128xf32, #tpu.memory_space<hbm>>
      tpu.wait_dma2 semaphore(%run_scoped3A : memref<!tpu.dma_semaphore, #tpu.memory_space<semaphore_mem>>) src(%arg14 : memref<128xf32, #tpu.memory_space<vmem>>) dst(%dma_wait3A_101 : memref<128xf32, #tpu.memory_space<hbm>>)
      tpu.yield
    }) : () -> ()
    %add3A_95 = arith.constant 512 : i32
    %add3A_96 = arith.addi %mul3A_2, %add3A_95 : i32
    "tpu.region"() ({
      %run_scoped3A = tpu.sem_alloc : memref<!tpu.dma_semaphore, #tpu.memory_space<semaphore_mem>>
      %dma_start3A = arith.constant 0 : i32
      %dma_start3A_100 = tpu.memref_slice %arg9[%add3A_96, %dma_start3A] : memref<10240x128xf32, #tpu.memory_space<vmem_shared>> -> memref<128x128xf32, #tpu.memory_space<vmem_shared>>
      %dma_start3A_101 = arith.constant 0 : i32
      %dma_start3A_102 = tpu.memref_slice %arg9[%add3A_96, %dma_start3A_101] : memref<10240x128xf32, #tpu.memory_space<vmem_shared>> -> memref<128x128xf32, #tpu.memory_space<vmem_shared>>
      tpu.enqueue_dma source(%dma_start3A_102 : memref<128x128xf32, #tpu.memory_space<vmem_shared>>) target(%arg13 : memref<128x128xf32, #tpu.memory_space<vmem>>) target_semaphore(%run_scoped3A : memref<!tpu.dma_semaphore, #tpu.memory_space<semaphore_mem>>)
      %dma_wait3A = arith.constant 0 : i32
      %dma_wait3A_103 = tpu.memref_slice %arg9[%add3A_96, %dma_wait3A] : memref<10240x128xf32, #tpu.memory_space<vmem_shared>> -> memref<128x128xf32, #tpu.memory_space<vmem_shared>>
      %dma_wait3A_104 = arith.constant 0 : i32
      %dma_wait3A_105 = tpu.memref_slice %arg9[%add3A_96, %dma_wait3A_104] : memref<10240x128xf32, #tpu.memory_space<vmem_shared>> -> memref<128x128xf32, #tpu.memory_space<vmem_shared>>
      tpu.wait_dma2 semaphore(%run_scoped3A : memref<!tpu.dma_semaphore, #tpu.memory_space<semaphore_mem>>) src(%dma_wait3A_105 : memref<128x128xf32, #tpu.memory_space<vmem_shared>>) dst(%arg13 : memref<128x128xf32, #tpu.memory_space<vmem>>)
      tpu.yield
    }) : () -> ()
    "tpu.region"() ({
      %run_scoped3A = tpu.sem_alloc : memref<!tpu.dma_semaphore, #tpu.memory_space<semaphore_mem>>
      %dma_start3A = arith.constant 0 : i32
      %dma_start3A_100 = tpu.memref_slice %arg7[%arg0, %add3A_96, %dma_start3A] : memref<2x10240x128xf32, #tpu.memory_space<hbm>> -> memref<1x128x128xf32, #tpu.memory_space<hbm>>
      %dma_start3A_101 = tpu.memref_squeeze %dma_start3A_100 : memref<1x128x128xf32, #tpu.memory_space<hbm>> -> memref<128x128xf32, #tpu.memory_space<hbm>>
      %dma_start3A_102 = arith.constant 0 : i32
      %dma_start3A_103 = tpu.memref_slice %arg7[%arg0, %add3A_96, %dma_start3A_102] : memref<2x10240x128xf32, #tpu.memory_space<hbm>> -> memref<1x128x128xf32, #tpu.memory_space<hbm>>
      %dma_start3A_104 = tpu.memref_squeeze %dma_start3A_103 : memref<1x128x128xf32, #tpu.memory_space<hbm>> -> memref<128x128xf32, #tpu.memory_space<hbm>>
      tpu.enqueue_dma source(%arg13 : memref<128x128xf32, #tpu.memory_space<vmem>>) target(%dma_start3A_104 : memref<128x128xf32, #tpu.memory_space<hbm>>) target_semaphore(%run_scoped3A : memref<!tpu.dma_semaphore, #tpu.memory_space<semaphore_mem>>)
      %dma_wait3A = arith.constant 0 : i32
      %dma_wait3A_105 = tpu.memref_slice %arg7[%arg0, %add3A_96, %dma_wait3A] : memref<2x10240x128xf32, #tpu.memory_space<hbm>> -> memref<1x128x128xf32, #tpu.memory_space<hbm>>
      %dma_wait3A_106 = tpu.memref_squeeze %dma_wait3A_105 : memref<1x128x128xf32, #tpu.memory_space<hbm>> -> memref<128x128xf32, #tpu.memory_space<hbm>>
      %dma_wait3A_107 = arith.constant 0 : i32
      %dma_wait3A_108 = tpu.memref_slice %arg7[%arg0, %add3A_96, %dma_wait3A_107] : memref<2x10240x128xf32, #tpu.memory_space<hbm>> -> memref<1x128x128xf32, #tpu.memory_space<hbm>>
      %dma_wait3A_109 = tpu.memref_squeeze %dma_wait3A_108 : memref<1x128x128xf32, #tpu.memory_space<hbm>> -> memref<128x128xf32, #tpu.memory_space<hbm>>
      tpu.wait_dma2 semaphore(%run_scoped3A : memref<!tpu.dma_semaphore, #tpu.memory_space<semaphore_mem>>) src(%arg13 : memref<128x128xf32, #tpu.memory_space<vmem>>) dst(%dma_wait3A_109 : memref<128x128xf32, #tpu.memory_space<hbm>>)
      tpu.yield
    }) : () -> ()
    "tpu.region"() ({
      %run_scoped3A = tpu.sem_alloc : memref<!tpu.dma_semaphore, #tpu.memory_space<semaphore_mem>>
      %dma_start3A = tpu.memref_slice %arg10[%add3A_96] : memref<10240xf32, #tpu.memory_space<vmem_shared>> -> memref<128xf32, #tpu.memory_space<vmem_shared>>
      %dma_start3A_100 = tpu.memref_slice %arg10[%add3A_96] : memref<10240xf32, #tpu.memory_space<vmem_shared>> -> memref<128xf32, #tpu.memory_space<vmem_shared>>
      tpu.enqueue_dma source(%dma_start3A_100 : memref<128xf32, #tpu.memory_space<vmem_shared>>) target(%arg14 : memref<128xf32, #tpu.memory_space<vmem>>) target_semaphore(%run_scoped3A : memref<!tpu.dma_semaphore, #tpu.memory_space<semaphore_mem>>)
      %dma_wait3A = tpu.memref_slice %arg10[%add3A_96] : memref<10240xf32, #tpu.memory_space<vmem_shared>> -> memref<128xf32, #tpu.memory_space<vmem_shared>>
      %dma_wait3A_101 = tpu.memref_slice %arg10[%add3A_96] : memref<10240xf32, #tpu.memory_space<vmem_shared>> -> memref<128xf32, #tpu.memory_space<vmem_shared>>
      tpu.wait_dma2 semaphore(%run_scoped3A : memref<!tpu.dma_semaphore, #tpu.memory_space<semaphore_mem>>) src(%dma_wait3A_101 : memref<128xf32, #tpu.memory_space<vmem_shared>>) dst(%arg14 : memref<128xf32, #tpu.memory_space<vmem>>)
      tpu.yield
    }) : () -> ()
    %mul3A_97 = arith.constant 10240 : i32
    %mul3A_98 = arith.muli %arg0, %mul3A_97 : i32
    %add3A_99 = arith.addi %mul3A_98, %add3A_96 : i32
    "tpu.region"() ({
      %run_scoped3A = tpu.sem_alloc : memref<!tpu.dma_semaphore, #tpu.memory_space<semaphore_mem>>
      %dma_start3A = tpu.memref_slice %arg8[%add3A_99] : memref<20480xf32, #tpu.memory_space<hbm>> -> memref<128xf32, #tpu.memory_space<hbm>>
      %dma_start3A_100 = tpu.memref_slice %arg8[%add3A_99] : memref<20480xf32, #tpu.memory_space<hbm>> -> memref<128xf32, #tpu.memory_space<hbm>>
      tpu.enqueue_dma source(%arg14 : memref<128xf32, #tpu.memory_space<vmem>>) target(%dma_start3A_100 : memref<128xf32, #tpu.memory_space<hbm>>) target_semaphore(%run_scoped3A : memref<!tpu.dma_semaphore, #tpu.memory_space<semaphore_mem>>)
      %dma_wait3A = tpu.memref_slice %arg8[%add3A_99] : memref<20480xf32, #tpu.memory_space<hbm>> -> memref<128xf32, #tpu.memory_space<hbm>>
      %dma_wait3A_101 = tpu.memref_slice %arg8[%add3A_99] : memref<20480xf32, #tpu.memory_space<hbm>> -> memref<128xf32, #tpu.memory_space<hbm>>
      tpu.wait_dma2 semaphore(%run_scoped3A : memref<!tpu.dma_semaphore, #tpu.memory_space<semaphore_mem>>) src(%arg14 : memref<128xf32, #tpu.memory_space<vmem>>) dst(%dma_wait3A_101 : memref<128xf32, #tpu.memory_space<hbm>>)
      tpu.yield
    }) : () -> ()
    return
  }
}

module attributes {stable_mosaic.version = 14 : i64} {
  func.func @_dense1_body(%arg0: i32, %arg1: memref<512x128xf32, #tpu.memory_space<vmem>>, %arg2: memref<128x128xf32, #tpu.memory_space<vmem>>, %arg3: memref<512x2xf32, #tpu.memory_space<vmem>>, %arg4: memref<512x128xf32, #tpu.memory_space<vmem>>, %arg5: memref<512x1xf32, #tpu.memory_space<vmem>>) attributes {dimension_semantics = [#tpu.dimension_semantics<arbitrary>], iteration_bounds = array<i64: 20>, scalar_prefetch = 0 : i64, scratch_operands = 0 : i64, tpu.core_type = #tpu.core_type<tc>, window_params = [{transform_indices = @transform_0, window_bounds = array<i64: 512, 128>}, {pipeline_mode = #tpu.pipeline_mode<synchronous>, transform_indices = @transform_1, window_bounds = array<i64: 128, 128>}, {transform_indices = @transform_2, window_bounds = array<i64: 512, 2>}, {transform_indices = @transform_3, window_bounds = array<i64: 512, 128>}, {transform_indices = @transform_4, window_bounds = array<i64: 512, 1>}]} {
    %get3A = arith.constant 0 : index
    %get3A_0 = arith.constant 0 : index
    %get3A_1 = vector.load %arg3[%get3A, %get3A_0] : memref<512x2xf32, #tpu.memory_space<vmem>>, vector<512x1xf32>
    %get3A_2 = arith.constant 0 : index
    %get3A_3 = arith.constant 1 : index
    %get3A_4 = vector.load %arg3[%get3A_2, %get3A_3] : memref<512x2xf32, #tpu.memory_space<vmem>>, vector<512x1xf32>
    %add3A = arith.addf %get3A_1, %get3A_4 : vector<512x1xf32>
    %add3A_5 = arith.constant 1.000000e+00 : f32
    %add3A_6 = vector.broadcast %add3A_5 : f32 to vector<512x1xf32>
    %add3A_7 = arith.addf %add3A, %add3A_6 : vector<512x1xf32>
    %mul3A = arith.constant 512 : i32
    %mul3A_8 = arith.muli %arg0, %mul3A : i32
    %iota3A = tpu.iota {dimensions = array<i32: 0>} : vector<512x1xi32>
    %add3A_9 = vector.broadcast %mul3A_8 : i32 to vector<512x1xi32>
    %add3A_10 = arith.addi %add3A_9, %iota3A : vector<512x1xi32>
    %lt3A = arith.constant 10000 : i32
    %lt3A_11 = vector.broadcast %lt3A : i32 to vector<512x1xi32>
    %lt3A_12 = arith.cmpi slt, %add3A_10, %lt3A_11 : vector<512x1xi32>
    %max3A = arith.constant 1.000000e+00 : f32
    %max3A_13 = vector.broadcast %max3A : f32 to vector<512x1xf32>
    %max3A_14 = arith.maximumf %add3A_7, %max3A_13 : vector<512x1xf32>
    %rsqrt3A = math.rsqrt %max3A_14 : vector<512x1xf32>
    %jit3A = arith.constant 0.000000e+00 : f32
    %broadcast_in_dim3A = vector.broadcast %jit3A : f32 to vector<512x1xf32>
    %select_n3A = arith.select %lt3A_12, %rsqrt3A, %broadcast_in_dim3A : vector<512x1xi1>, vector<512x1xf32>
    %swap3A = arith.constant 0 : index
    %swap3A_15 = arith.constant 0 : index
    %swap3A_16 = vector.load %arg5[%swap3A, %swap3A_15] : memref<512x1xf32, #tpu.memory_space<vmem>>, vector<512x1xf32>
    tpu.vector_store %arg5[%swap3A, %swap3A_15], %select_n3A {strides = array<i32>} : memref<512x1xf32, #tpu.memory_space<vmem>>, vector<512x1xf32>,
    %get3A_17 = arith.constant 0 : index
    %get3A_18 = arith.constant 0 : index
    %get3A_19 = vector.load %arg1[%get3A_17, %get3A_18] : memref<512x128xf32, #tpu.memory_space<vmem>>, vector<512x128xf32>
    %get3A_20 = arith.constant 0 : index
    %get3A_21 = arith.constant 0 : index
    %get3A_22 = vector.load %arg2[%get3A_20, %get3A_21] : memref<128x128xf32, #tpu.memory_space<vmem>>, vector<128x128xf32>
    %dot_general3A = arith.constant dense<0.000000e+00> : vector<512x128xf32>
    %dot_general3A_23 = tpu.matmul %get3A_19, %get3A_22, %dot_general3A {dimension_numbers = #tpu.dot_dimension_numbers<[1], [0], [0], [1], [0, 0, 1, 1], [], []>, precision = #tpu.contract_precision<fp32>, transpose_lhs_hint = false} : vector<512x128xf32>, vector<128x128xf32>, vector<512x128xf32> -> vector<512x128xf32>
    %mul3A_24 = vector.broadcast %select_n3A : vector<512x1xf32> to vector<512x128xf32>
    %mul3A_25 = arith.mulf %dot_general3A_23, %mul3A_24 : vector<512x128xf32>
    %swap3A_26 = arith.constant 0 : index
    %swap3A_27 = arith.constant 0 : index
    %swap3A_28 = vector.load %arg4[%swap3A_26, %swap3A_27] : memref<512x128xf32, #tpu.memory_space<vmem>>, vector<512x128xf32>
    tpu.vector_store %arg4[%swap3A_26, %swap3A_27], %mul3A_25 {strides = array<i32>} : memref<512x128xf32, #tpu.memory_space<vmem>>, vector<512x128xf32>,
    return
  }
  func.func @transform_0(%arg0: i32) -> (i32, i32) {
    %c0_i32 = arith.constant 0 : i32
    %c0_i32_0 = arith.constant 0 : i32
    return %arg0, %c0_i32 : i32, i32
  }
  func.func @transform_1(%arg0: i32) -> (i32, i32) {
    %c0_i32 = arith.constant 0 : i32
    %c0_i32_0 = arith.constant 0 : i32
    %c0_i32_1 = arith.constant 0 : i32
    return %c0_i32, %c0_i32_0 : i32, i32
  }
  func.func @transform_2(%arg0: i32) -> (i32, i32) {
    %c0_i32 = arith.constant 0 : i32
    %c0_i32_0 = arith.constant 0 : i32
    return %arg0, %c0_i32 : i32, i32
  }
  func.func @transform_3(%arg0: i32) -> (i32, i32) {
    %c0_i32 = arith.constant 0 : i32
    %c0_i32_0 = arith.constant 0 : i32
    return %arg0, %c0_i32 : i32, i32
  }
  func.func @transform_4(%arg0: i32) -> (i32, i32) {
    %c0_i32 = arith.constant 0 : i32
    %c0_i32_0 = arith.constant 0 : i32
    return %arg0, %c0_i32 : i32, i32
  }
}

module attributes {stable_mosaic.version = 14 : i64} {
  func.func @_final_body(%arg0: i32, %arg1: memref<2x512x128xf32, #tpu.memory_space<vmem>>, %arg2: memref<512x128xf32, #tpu.memory_space<vmem>>, %arg3: memref<512x1xf32, #tpu.memory_space<vmem>>, %arg4: memref<512x2xf32, #tpu.memory_space<vmem>>, %arg5: memref<1x128xf32, #tpu.memory_space<vmem>>, %arg6: memref<128x128xf32, #tpu.memory_space<vmem>>, %arg7: memref<1x128xf32, #tpu.memory_space<vmem>>, %arg8: memref<128x2xf32, #tpu.memory_space<vmem>>, %arg9: memref<1x2xf32, #tpu.memory_space<vmem>>, %arg10: memref<1x2xf32, #tpu.memory_space<vmem>>, %arg11: memref<1x128xf32, #tpu.memory_space<vmem>>) attributes {dimension_semantics = [#tpu.dimension_semantics<arbitrary>], iteration_bounds = array<i64: 20>, scalar_prefetch = 0 : i64, scratch_operands = 1 : i64, tpu.core_type = #tpu.core_type<tc>, window_params = [{transform_indices = @transform_0, window_bounds = array<i64: 2, 512, 128>}, {transform_indices = @transform_1, window_bounds = array<i64: 512, 128>}, {transform_indices = @transform_2, window_bounds = array<i64: 512, 1>}, {transform_indices = @transform_3, window_bounds = array<i64: 512, 2>}, {pipeline_mode = #tpu.pipeline_mode<synchronous>, transform_indices = @transform_4, window_bounds = array<i64: 1, 128>}, {pipeline_mode = #tpu.pipeline_mode<synchronous>, transform_indices = @transform_5, window_bounds = array<i64: 128, 128>}, {pipeline_mode = #tpu.pipeline_mode<synchronous>, transform_indices = @transform_6, window_bounds = array<i64: 1, 128>}, {pipeline_mode = #tpu.pipeline_mode<synchronous>, transform_indices = @transform_7, window_bounds = array<i64: 128, 2>}, {pipeline_mode = #tpu.pipeline_mode<synchronous>, transform_indices = @transform_8, window_bounds = array<i64: 1, 2>}, {pipeline_mode = #tpu.pipeline_mode<synchronous>, transform_indices = @transform_9, window_bounds = array<i64: 1, 2>}]} {
    %eq3A = arith.constant 0 : i32
    %eq3A_0 = arith.cmpi eq, %arg0, %eq3A : i32
    %convert_element_type3A = arith.extui %eq3A_0 : i1 to i32
    %cond3A = arith.constant 0 : i32
    %cond3A_1 = arith.cmpi ne, %convert_element_type3A, %cond3A : i32
    scf.if %cond3A_1 {
      %broadcast_in_dim3A_49 = arith.constant 0.000000e+00 : f32
      %broadcast_in_dim3A_50 = vector.broadcast %broadcast_in_dim3A_49 : f32 to vector<1x128xf32>
      %swap3A_51 = arith.constant 0 : index
      %swap3A_52 = arith.constant 0 : index
      %swap3A_53 = vector.load %arg11[%swap3A_51, %swap3A_52] : memref<1x128xf32, #tpu.memory_space<vmem>>, vector<1x128xf32>
      tpu.vector_store %arg11[%swap3A_51, %swap3A_52], %broadcast_in_dim3A_50 {strides = array<i32>} : memref<1x128xf32, #tpu.memory_space<vmem>>, vector<1x128xf32>,
    } else {
    }
    %get3A = arith.constant 0 : index
    %get3A_2 = arith.constant 0 : index
    %get3A_3 = arith.constant 0 : index
    %get3A_4 = vector.load %arg1[%get3A, %get3A_2, %get3A_3] : memref<2x512x128xf32, #tpu.memory_space<vmem>>, vector<1x512x128xf32>
    %get3A_5 = vector.shape_cast %get3A_4 : vector<1x512x128xf32> to vector<512x128xf32>
    %get3A_6 = arith.constant 1 : index
    %get3A_7 = arith.constant 0 : index
    %get3A_8 = arith.constant 0 : index
    %get3A_9 = vector.load %arg1[%get3A_6, %get3A_7, %get3A_8] : memref<2x512x128xf32, #tpu.memory_space<vmem>>, vector<1x512x128xf32>
    %get3A_10 = vector.shape_cast %get3A_9 : vector<1x512x128xf32> to vector<512x128xf32>
    %add3A = arith.addf %get3A_5, %get3A_10 : vector<512x128xf32>
    %get3A_11 = arith.constant 0 : index
    %get3A_12 = arith.constant 0 : index
    %get3A_13 = vector.load %arg2[%get3A_11, %get3A_12] : memref<512x128xf32, #tpu.memory_space<vmem>>, vector<512x128xf32>
    %add3A_14 = arith.addf %add3A, %get3A_13 : vector<512x128xf32>
    %get3A_15 = arith.constant 0 : index
    %get3A_16 = arith.constant 0 : index
    %get3A_17 = vector.load %arg3[%get3A_15, %get3A_16] : memref<512x1xf32, #tpu.memory_space<vmem>>, vector<512x1xf32>
    %mul3A = vector.broadcast %get3A_17 : vector<512x1xf32> to vector<512x128xf32>
    %mul3A_18 = arith.mulf %mul3A, %add3A_14 : vector<512x128xf32>
    %get3A_19 = arith.constant 0 : index
    %get3A_20 = arith.constant 0 : index
    %get3A_21 = vector.load %arg5[%get3A_19, %get3A_20] : memref<1x128xf32, #tpu.memory_space<vmem>>, vector<1x128xf32>
    %add3A_22 = vector.broadcast %get3A_21 : vector<1x128xf32> to vector<512x128xf32>
    %add3A_23 = arith.addf %mul3A_18, %add3A_22 : vector<512x128xf32>
    %max3A = arith.constant 0.000000e+00 : f32
    %max3A_24 = vector.broadcast %max3A : f32 to vector<512x128xf32>
    %max3A_25 = arith.maximumf %add3A_23, %max3A_24 : vector<512x128xf32>
    %get3A_26 = arith.constant 0 : index
    %get3A_27 = arith.constant 0 : index
    %get3A_28 = vector.load %arg4[%get3A_26, %get3A_27] : memref<512x2xf32, #tpu.memory_space<vmem>>, vector<512x1xf32>
    %get3A_29 = arith.constant 0 : index
    %get3A_30 = arith.constant 1 : index
    %get3A_31 = vector.load %arg4[%get3A_29, %get3A_30] : memref<512x2xf32, #tpu.memory_space<vmem>>, vector<512x1xf32>
    %add3A_32 = arith.addf %get3A_28, %get3A_31 : vector<512x1xf32>
    %add3A_33 = arith.addf %add3A_32, %get3A_17 : vector<512x1xf32>
    %mul3A_34 = arith.mulf %get3A_17, %add3A_33 : vector<512x1xf32>
    %get3A_35 = arith.constant 0 : index
    %get3A_36 = arith.constant 0 : index
    %get3A_37 = vector.load %arg11[%get3A_35, %get3A_36] : memref<1x128xf32, #tpu.memory_space<vmem>>, vector<1x128xf32>
    %mul3A_38 = vector.broadcast %mul3A_34 : vector<512x1xf32> to vector<512x128xf32>
    %mul3A_39 = arith.mulf %max3A_25, %mul3A_38 : vector<512x128xf32>
    %reduce_sum3A = arith.constant dense<0.000000e+00> : vector<128xf32>
    %reduce_sum3A_40 = vector.multi_reduction <add>, %mul3A_39, %reduce_sum3A [0] : vector<512x128xf32> to vector<128xf32>
    %broadcast_in_dim3A = vector.shape_cast %reduce_sum3A_40 : vector<128xf32> to vector<1x128xf32>
    %add3A_41 = arith.addf %get3A_37, %broadcast_in_dim3A : vector<1x128xf32>
    %swap3A = arith.constant 0 : index
    %swap3A_42 = arith.constant 0 : index
    %swap3A_43 = vector.load %arg11[%swap3A, %swap3A_42] : memref<1x128xf32, #tpu.memory_space<vmem>>, vector<1x128xf32>
    tpu.vector_store %arg11[%swap3A, %swap3A_42], %add3A_41 {strides = array<i32>} : memref<1x128xf32, #tpu.memory_space<vmem>>, vector<1x128xf32>,
    %eq3A_44 = arith.constant 19 : i32
    %eq3A_45 = arith.cmpi eq, %arg0, %eq3A_44 : i32
    %convert_element_type3A_46 = arith.extui %eq3A_45 : i1 to i32
    %cond3A_47 = arith.constant 0 : i32
    %cond3A_48 = arith.cmpi ne, %convert_element_type3A_46, %cond3A_47 : i32
    scf.if %cond3A_48 {
      %get3A_49 = arith.constant 0 : index
      %get3A_50 = arith.constant 0 : index
      %get3A_51 = vector.load %arg11[%get3A_49, %get3A_50] : memref<1x128xf32, #tpu.memory_space<vmem>>, vector<1x128xf32>
      %mul3A_52 = arith.constant 9.99999974E-5 : f32
      %mul3A_53 = vector.broadcast %mul3A_52 : f32 to vector<1x128xf32>
      %mul3A_54 = arith.mulf %get3A_51, %mul3A_53 : vector<1x128xf32>
      %get3A_55 = arith.constant 0 : index
      %get3A_56 = arith.constant 0 : index
      %get3A_57 = vector.load %arg6[%get3A_55, %get3A_56] : memref<128x128xf32, #tpu.memory_space<vmem>>, vector<128x128xf32>
      %dot_general3A = arith.constant dense<0.000000e+00> : vector<1x128xf32>
      %dot_general3A_58 = tpu.matmul %mul3A_54, %get3A_57, %dot_general3A {dimension_numbers = #tpu.dot_dimension_numbers<[1], [0], [0], [1], [0, 0, 1, 1], [], []>, transpose_lhs_hint = false} : vector<1x128xf32>, vector<128x128xf32>, vector<1x128xf32> -> vector<1x128xf32>
      %get3A_59 = arith.constant 0 : index
      %get3A_60 = arith.constant 0 : index
      %get3A_61 = vector.load %arg7[%get3A_59, %get3A_60] : memref<1x128xf32, #tpu.memory_space<vmem>>, vector<1x128xf32>
      %add3A_62 = arith.addf %dot_general3A_58, %get3A_61 : vector<1x128xf32>
      %get3A_63 = arith.constant 0 : index
      %get3A_64 = arith.constant 0 : index
      %get3A_65 = vector.load %arg8[%get3A_63, %get3A_64] : memref<128x2xf32, #tpu.memory_space<vmem>>, vector<128x2xf32>
      %dot_general3A_66 = arith.constant dense<0.000000e+00> : vector<1x2xf32>
      %dot_general3A_67 = tpu.matmul %add3A_62, %get3A_65, %dot_general3A_66 {dimension_numbers = #tpu.dot_dimension_numbers<[1], [0], [0], [1], [0, 0, 1, 1], [], []>, transpose_lhs_hint = false} : vector<1x128xf32>, vector<128x2xf32>, vector<1x2xf32> -> vector<1x2xf32>
      %get3A_68 = arith.constant 0 : index
      %get3A_69 = arith.constant 0 : index
      %get3A_70 = vector.load %arg9[%get3A_68, %get3A_69] : memref<1x2xf32, #tpu.memory_space<vmem>>, vector<1x2xf32>
      %add3A_71 = arith.addf %dot_general3A_67, %get3A_70 : vector<1x2xf32>
      %swap3A_72 = arith.constant 0 : index
      %swap3A_73 = arith.constant 0 : index
      %swap3A_74 = vector.load %arg10[%swap3A_72, %swap3A_73] : memref<1x2xf32, #tpu.memory_space<vmem>>, vector<1x2xf32>
      tpu.vector_store %arg10[%swap3A_72, %swap3A_73], %add3A_71 {strides = array<i32>} : memref<1x2xf32, #tpu.memory_space<vmem>>, vector<1x2xf32>,
    } else {
    }
    return
  }
  func.func @transform_0(%arg0: i32) -> (i32, i32, i32) {
    %c0_i32 = arith.constant 0 : i32
    %c0_i32_0 = arith.constant 0 : i32
    %c0_i32_1 = arith.constant 0 : i32
    return %c0_i32, %arg0, %c0_i32_0 : i32, i32, i32
  }
  func.func @transform_1(%arg0: i32) -> (i32, i32) {
    %c0_i32 = arith.constant 0 : i32
    %c0_i32_0 = arith.constant 0 : i32
    return %arg0, %c0_i32 : i32, i32
  }
  func.func @transform_2(%arg0: i32) -> (i32, i32) {
    %c0_i32 = arith.constant 0 : i32
    %c0_i32_0 = arith.constant 0 : i32
    return %arg0, %c0_i32 : i32, i32
  }
  func.func @transform_3(%arg0: i32) -> (i32, i32) {
    %c0_i32 = arith.constant 0 : i32
    %c0_i32_0 = arith.constant 0 : i32
    return %arg0, %c0_i32 : i32, i32
  }
  func.func @transform_4(%arg0: i32) -> (i32, i32) {
    %c0_i32 = arith.constant 0 : i32
    %c0_i32_0 = arith.constant 0 : i32
    %c0_i32_1 = arith.constant 0 : i32
    return %c0_i32, %c0_i32_0 : i32, i32
  }
  func.func @transform_5(%arg0: i32) -> (i32, i32) {
    %c0_i32 = arith.constant 0 : i32
    %c0_i32_0 = arith.constant 0 : i32
    %c0_i32_1 = arith.constant 0 : i32
    return %c0_i32, %c0_i32_0 : i32, i32
  }
  func.func @transform_6(%arg0: i32) -> (i32, i32) {
    %c0_i32 = arith.constant 0 : i32
    %c0_i32_0 = arith.constant 0 : i32
    %c0_i32_1 = arith.constant 0 : i32
    return %c0_i32, %c0_i32_0 : i32, i32
  }
  func.func @transform_7(%arg0: i32) -> (i32, i32) {
    %c0_i32 = arith.constant 0 : i32
    %c0_i32_0 = arith.constant 0 : i32
    %c0_i32_1 = arith.constant 0 : i32
    return %c0_i32, %c0_i32_0 : i32, i32
  }
  func.func @transform_8(%arg0: i32) -> (i32, i32) {
    %c0_i32 = arith.constant 0 : i32
    %c0_i32_0 = arith.constant 0 : i32
    %c0_i32_1 = arith.constant 0 : i32
    return %c0_i32, %c0_i32_0 : i32, i32
  }
  func.func @transform_9(%arg0: i32) -> (i32, i32) {
    %c0_i32 = arith.constant 0 : i32
    %c0_i32_0 = arith.constant 0 : i32
    %c0_i32_1 = arith.constant 0 : i32
    return %c0_i32, %c0_i32_0 : i32, i32
  }
}

</mosaic_0001>

<sc_bundles>
// kernel: kernel.6.cloned.1.call-start
scs
__scs_entry_jumppad:
0x0: {  	(pc) =	sbr.rel $0x88, $3  }
0x1: {  	(tag) =	ssettag $0x0;
	lr =	simm.s32 $0x1  }
0x2: {  	[smem:$0x3F99] =	sst lr;
	_ =	strace $0xD0000000  }
0x3: {  	_ = 	snop  }
0x4: {  	_ = 	snop  }
0x5: {  	_ = 	snop  }
0x6: {  	_ = 	snop  }
0x7: {  	_ = 	snop  }
__scs_overlays_trampoline_lowered:
0x8: {  	[smem:$0x3FA8] =	sst s0  }
0x9: {  	[smem:$0x3FA9] =	sst s1  }
0xa: {  	[smem:$0x3FAA] =	sst s2  }
0xb: {  	[smem:$0x3FAB] =	sst s3  }
0xc: {  	[smem:$0x3FAC] =	sst s4  }
0xd: {  	[smem:$0x3FAD] =	sst s5  }
0xe: {  	[smem:$0x3FAE] =	sst s6  }
0xf: {  	[smem:$0x3FAF] =	sst s7  }
0x10: {  	[smem:$0x3FB0] =	sst s8  }
0x11: {  	[smem:$0x3FB1] =	sst s9;
	s0 =	simm.s32 @!p0 $0x0  }
0x12: {  	s1 =	sld [smem:$0x3F97];
	s0 =	simm.s32 @p0 $0x1  }
0x13: {  	[smem:$0x3FB2] =	sst s0;
	s0 =	simm.s32 @!p1 $0x0  }
0x14: {  	s2 =	sld [smem:$0x3F96];
	s0 =	simm.s32 @p1 $0x1  }
0x15: {  	[smem:$0x3FB3] =	sst s0;
	s0 =	simm.s32 @!p2 $0x0  }
0x16: {  	s3 =	sld [smem:$0x3FDB];
	s0 =	simm.s32 @p2 $0x1  }
0x17: {  	s4 =	simm.s32 $0x1BF5;
	[smem:$0x3FB5] =	sst s0  }
0x18: {  	s0 =	sld [smem:$0x3F98];
	_ =	swait.ge [sflag:s4], $0x0  }
0x19: {  	s7 =	sld [smem:$0x3F99]  }
0x1a: {  	s8 =	sadd.s32 $0xFFFFE003, lr  }
0x1b: {  	s9 =	sadd.s32 $0xFFFFFEF7, lr;
	s5 =	simm.s32 $0xFFFFFFFF;
	p2 =	slt.u32 s8, $0xFFFFF086  }
0x1c: {  	p1 =	slt.u32 s9, $0xF7A;
	s5 =	simm.s32 @!p2 $0x0  }
0x1d: {  	s5 =	simm.s32 @p1 $0x1;
	p0 =	seq.s32 s7, s2  }
0x1e: {  	s7 =	smul.u32 @!p0 $0xF7A, s2;
	p2 =	seq.s32 @!p0 s5, $0x0  }
0x1f: {  	s9 =	smul.u32 $0xF7A, s1;
	s8 =	simm.s32 @!p0 $0x1BF5;
	p2 =	por !p2, p0  }
0x20: {  	[sflag:s8] =	ssyncset.s32 @!p0 $0xFFFFF086;
	s6 =	sadd.s32 @!p0 s3, s7;
	s7 =	simm.s32 @!p0 $0x108  }
0x21: {  	s3 =	sadd.s32 s3, s9;
	s6 =	sadd.s32 @!p0 $0x88, s6;
	s7 =	simm.s32 @p2 $0x1082  }
0x22: {  	[simem:s7], [sflag:s8] =	dma.local @!p0 [hbm:s6], $0xF7A  }
0x23: {  	s9 =	sor.u32 $0xD0000000, s2;
	s6 =	simm.s32 $0x108;
	_ =	swait.ge @!p0 [sflag:s8], $0x0  }
0x24: {  	s3 =	sadd.s32 $0x88, s3;
	s6 =	simm.s32 @!p1 $0x1082;
	[sflag:s4] =	ssyncset.s32 $0xFFFFF086  }
0x25: {  	[simem:s6], [sflag:s4] =	dma.local [hbm:s3], $0xF7A  }
0x26: {  	[smem:$0x3F99] =	sst s1;
	(tag) =	ssettag s2;
	_ =	strace s9  }
0x27: {  	s1 =	sld [smem:$0x3FA9]  }
0x28: {  	s2 =	sld [smem:$0x3FAA]  }
0x29: {  	s4 =	sld [smem:$0x3FAC]  }
0x2a: {  	p0 =	seq.s32 s5, $0x0;
	s5 =	sld [smem:$0x3FAD]  }
0x2b: {  	s6 =	sld [smem:$0x3FAE]  }
0x2c: {  	s7 =	sld [smem:$0x3FAF]  }
0x2d: {  	s3 =	simm.s32 $0x108;
	s8 =	sld [smem:$0x3FB0]  }
0x2e: {  	s3 =	simm.s32 @!p0 $0x1082;
	s9 =	sld [smem:$0x3FB1]  }
0x2f: {  	lr =	sadd.s32 s0, s3;
	s0 =	sld [smem:$0x3FA8]  }
0x30: {  	s3 =	sld [smem:$0x3FAB]  }
0x31: {  	[smem:$0x3FB4] =	sst s10  }
0x32: {  	s10 =	sld [smem:$0x3FB2];
	_ =	sdelay $0x3  }
0x33: {  	p0 =	seq.s32 s10, $0x1;
	s10 =	sld [smem:$0x3FB4];
	_ =	sdelay $0x3  }
0x34: {  	[smem:$0x3FB4] =	sst s10  }
0x35: {  	s10 =	sld [smem:$0x3FB3];
	_ =	sdelay $0x3  }
0x36: {  	p1 =	seq.s32 s10, $0x1;
	s10 =	sld [smem:$0x3FB4];
	_ =	sdelay $0x3  }
0x37: {  	[smem:$0x3FB4] =	sst s10  }
0x38: {  	s10 =	sld [smem:$0x3FB5]  }
0x39: {  	_ = 	snop;
	(pc) =	sbr.ind lr, $3  }
0x3a: {  	_ = 	snop  }
0x3b: {  	_ = 	snop  }
0x3c: {  	p2 =	seq.s32 s10, $0x1;
	s10 =	sld [smem:$0x3FB4]  }
0x3d: {  	_ =	shalt  }
0x3e: {  	_ =	shalt  }
0x3f: {  	_ =	shalt  }
0x40: {  	_ =	shalt  }
0x41: {  	_ =	shalt  }
0x42: {  	_ =	shalt  }
0x43: {  	_ =	shalt  }
0x44: {  	_ =	shalt  }
0x45: {  	_ =	shalt  }
0x46: {  	_ =	shalt  }
0x47: {  	_ =	shalt  }
0x48: {  	_ =	shalt  }
0x49: {  	_ =	shalt  }
0x4a: {  	_ =	shalt  }
0x4b: {  	_ =	shalt  }
0x4c: {  	_ =	shalt  }
0x4d: {  	_ =	shalt  }
0x4e: {  	_ =	shalt  }
0x4f: {  	_ =	shalt  }
0x50: {  	_ =	shalt  }
0x51: {  	_ =	shalt  }
0x52: {  	_ =	shalt  }
0x53: {  	_ =	shalt  }
0x54: {  	_ =	shalt  }
0x55: {  	_ =	shalt  }
0x56: {  	_ =	shalt  }
0x57: {  	_ =	shalt  }
0x58: {  	_ =	shalt  }
0x59: {  	_ =	shalt  }
0x5a: {  	_ =	shalt  }
0x5b: {  	_ =	shalt  }
0x5c: {  	_ =	shalt  }
0x5d: {  	_ =	shalt  }
0x5e: {  	_ =	shalt  }
0x5f: {  	_ =	shalt  }
0x60: {  	_ =	shalt  }
0x61: {  	_ =	shalt  }
0x62: {  	_ =	shalt  }
0x63: {  	_ =	shalt  }
0x64: {  	_ =	shalt  }
0x65: {  	_ =	shalt  }
0x66: {  	_ =	shalt  }
0x67: {  	_ =	shalt  }
0x68: {  	_ =	shalt  }
0x69: {  	_ =	shalt  }
0x6a: {  	_ =	shalt  }
0x6b: {  	_ =	shalt  }
0x6c: {  	_ =	shalt  }
0x6d: {  	_ =	shalt  }
0x6e: {  	_ =	shalt  }
0x6f: {  	_ =	shalt  }
0x70: {  	_ =	shalt  }
0x71: {  	_ =	shalt  }
0x72: {  	_ =	shalt  }
0x73: {  	_ =	shalt  }
0x74: {  	_ =	shalt  }
0x75: {  	_ =	shalt  }
0x76: {  	_ =	shalt  }
0x77: {  	_ =	shalt  }
0x78: {  	_ =	shalt  }
0x79: {  	_ =	shalt  }
0x7a: {  	_ =	shalt  }
0x7b: {  	_ =	shalt  }
0x7c: {  	_ =	shalt  }
0x7d: {  	_ =	shalt  }
0x7e: {  	_ =	shalt  }
0x7f: {  	_ =	shalt  }
0x80: {  	_ =	shalt  }
0x81: {  	_ =	shalt  }
0x82: {  	_ =	shalt  }
0x83: {  	_ =	shalt  }
0x84: {  	_ =	shalt  }
0x85: {  	_ =	shalt  }
0x86: {  	_ =	shalt  }
0x87: {  	_ =	shalt  }
.Lfunc_end0:
.L_simem_size_0:
called_computation_lowered:
.L_overlay_start_0:
0x88: {  	s2 =	sld [smem:$0x3FD9]  }
0x89: {  	s3 =	sld [smem:$0x3FFE];
	_ =	sdelay $0x1  }
0x8a: {  	s1 =	srdreg.scid  }
0x8b: {  	s0 =	sand.u32 $0x1, s1  }
0x8c: {  	s17 =	sshll.u32 s0, $0xA;
	s2 =	sadd.s32 s3, s2  }
0x8d: {  	s2 =	sadd.s32 s2, s17  }
0x8e: {  	[smem:$0x3FC0] =	sst s2  }
0x8f: {  	_ = 	snop  }
0x90: {  	s2 =	sld [smem:$0x3FD0];
	(tm) =	ssettm $0x1  }
0x91: {  	s18 =	sld [smem:$0x3FFB];
	_ =	sdelay $0x3  }
0x92: {  	_ =	strace s18  }
0x93: {  	s3 =	sld [smem:$0x3FFC];
	_ =	sdelay $0x3  }
0x94: {  	_ =	strace s3  }
0x95: {  	s3 =	sld [smem:$0x3FFD];
	_ =	sdelay $0x3  }
0x96: {  	_ =	strace s3  }
0x97: {  	_ =	strace $0x8FFFFFFF  }
0x98: {  	s19 =	sld [smem:$0x3FDB];
	_ =	sdelay $0x1  }
0x99: {  	s4 =	simm.s32 $_scs_section_size  }
0x9a: {  	s5 =	simm.s32 $_size__tile_overlayer_lowered;
	s6 =	simm.s32 $_tile_overlayer_lowered  }
0x9b: {  	s22 =	simm.s32 $0x1BFF;
	s21 =	sshll.u32 s6, $0x1;
	s3 =	sadd.s32 s4, s19  }
0x9c: {  	s7 =	simm.s32 $0x0;
	s20 =	sshll.u32 s5, $0x1;
	s5 =	sadd.s32 s21, s3  }
0x9d: {  	[timem:s7], [sflag:s22] =	dma.local [hbm:s5], s20  }
0x9e: {  	_ =	swait.ge [sflag:s22], s20  }
0x9f: {  	s4 =	ssub.s32 $0x0, s20;
	[sflag:s22] =	ssyncset.done $0x0  }
0xa0: {  	[sflag:s22] =	ssyncadd.s32 s4;
	_ =	sdelay $0x1  }
0xa1: {  	s23 =	simm.s32 $0x1B8B  }
0xa2: {  	_ =	swait.ge [sflag:s23], $0x1  }
0xa3: {  	[sflag:s23] =	ssyncset.done $0x0  }
0xa4: {  	s25 =	simm.s32 $0x1B8E;
	s24 =	sld [smem:$0x3FFE];
	[sflag:s23] =	ssyncadd.s32 $0xFFFFFFFF  }
0xa5: {  	s26 =	simm.s32 $execute0_lowered;
	[smem:$0x3FD2] =	sst s25  }
0xa6: {  	s5 =	sshll.u32 s26, $0x1;
	_ =	strace $0x80000046;
	[dreg:$0x1] =	wrdreg $0xFFFFFFFF  }
0xa7: {  	s28 =	simm.s32 $_size_execute0_lowered;
	s3 =	sadd.s32 s3, s5;
	[dreg:$0x0] =	wrdreg $0x0  }
0xa8: {  	s5 =	sshll.u32 s28, $0x1;
	[dreg:$0x2] =	wrdreg s3  }
0xa9: {  	[dreg:$0x3] =	wrdreg s5  }
0xaa: {  	[dreg:$0x4] =	wrdreg $0xC0  }
0xab: {  	_ =	task [dreg:s7], $0x5FFFF  }
0xac: {  	[dreg:$0x1] =	wrdreg $0xFFFFFFFF  }
0xad: {  	[dreg:$0x0] =	wrdreg $0x60  }
0xae: {  	[dreg:$0x2] =	wrdreg s24  }
0xaf: {  	[dreg:$0x3] =	wrdreg s2  }
0xb0: {  	[dreg:$0x4] =	wrdreg $0x0  }
0xb1: {  	[dreg:$0x5] =	wrdreg $0x9  }
0xb2: {  	_ =	task.clear_ibuf [dreg:s7], $0x6FFFF;
	_ =	strace $0x90000046  }
0xb3: {  	s29 =	simm.s32 $0x9;
	_ =	strace $0x80000048  }
0xb4: {  	_ =	swait.ge [sflag:s29], $0x1  }
0xb5: {  	[sflag:s29] =	ssyncadd.s32 $0xFFFFFFFF  }
0xb6: {  	_ =	strace $0x90000048  }
0xb7: {  	_ =	sfence  }
0xb8: {  	s30 =	sld [smem:$0x0];
	_ =	sdelay $0x2  }
0xb9: {  	s31 =	sshll.u32 s1, $0xD;
	s1 =	sshrl.u32 s1, $0x2  }
0xba: {  	s3 =	sand.u32 $0x4000, s31;
	s1 =	sadd.s32 s1, s30  }
0xbb: {  	s0 =	sor.u32 s3, s0;
	s1 =	sshll.u32 s1, $0x11  }
0xbc: {  	s0 =	sor.u32 s1, s0  }
0xbd: {  	s0 =	sadd.s32 $0x8F2B, s0  }
0xbe: {  	[sflag:s0] =	ssyncadd.remote.s32 $0x1  }
0xbf: {  	_ =	sfence.sel $0xFFFF  }
0xc0: {  	[dreg:$0x0] =	wrdreg $0xFFFFFFFF;
	(pc) =	sbr.abs _section_cstart, $3  }
0xc1: {  	[dreg:$0x1] =	wrdreg $0xFFFFFFFF  }
0xc2: {  	_ =	task.clear_ibuf [dreg:s7], $0x2FFFF;
	_ =	strace $0x9FFFFFFF  }
0xc3: {  	(tm) =	ssettm $0x7FFFFFFF  }
tec
execute0_lowered:
.L_overlay_start_1:
0x0: {  	(tag) =	ssettag $0x1  }
0x1: {  	s6 =	rddreg [dreg:$0x0]  }
0x2: {  	s2 =	rddreg [dreg:$0x1]  }
0x3: {  	s0 =	srdreg.scid;
	s3 =	rddreg [dreg:$0x2]  }
0x4: {  	s1 =	stileid.u32;
	s4 =	simm.s32 $0x0;
	s11 =	simm.s32 $0x2  }
0x5: {  	s12 =	simm.s32 $0x2A80;
	s13 =	simm.s32 $0x280;
	s14 =	simm.s32 $0x80  }
0x6: {  	s15 =	simm.s32 $0x1;
	s16 =	simm.s32 $0x0;
	s5 =	sand.u32 $0x1, s0  }
0x7: {  	s0 =	rddreg [dreg:$0x3];
	s8 =	smul.u32 $0x280, s1;
	s7 =	sshll.u32 s5, $0x4  }
0x8: {  	[smem:$0x7FF] =	sst s4;
	s9 =	smul.u32 $0x2800, s5;
	s7 =	sor.u32 s1, s7  }
0x9: {  	_ =	strace $0x80000047;
	s10 =	ssub.s32 $0x2, s5;
	s7 =	smul.u32 $0x500, s7  }
0xa: {  	s5 =	sadd.s32 $0xB800, s6;
	s31 =	sshrl.u32 s10, $0x1;
	s9 =	sadd.s32 s8, s9  }
0xb: {  	s10 =	ssub.s32 s10, s31;
	s9 =	sshrl.u32 s9, $0x3;
	s7 =	sadd.s32 s7, s6  }
0xc: {  	s9 =	sadd.s32 s9, s6;
	s6 =	sadd.s32 s8, s3;
	s7 =	sadd.s32 $0x1800, s7  }
0xd: {  	s8 =	sadd.s32 $0xBA00, s9;
	s9 =	smax.u32 s10, $0x1;
	s10 =	simm.s32 $0x2B00  }
.LBB2_1:
0xe: {  	[tilespmem:s10], [sflag:$0x2] =	stream.linear.gather [hbm4b:s5+s4], $0x280, $0x38;
	[tilespmem:$0x2D80] =	vst v63  }
0xf: {  	_ =	swait.ge [sflag:s11], $0x280  }
0x10: {  	[sflag:s11] =	ssyncset.done $0x0  }
0x11: {  	[sflag:s11] =	ssyncadd.s32 $0xFFFFFD80  }
0x12: {  	[spmem:s6] =	stream.linear.scatter [tilespmem:s10], [sflag:$0x2], $0x280, $0x38;
	[tilespmem:$0x2D80] =	vst v63  }
0x13: {  	_ =	swait.ge [sflag:s11], $0x280  }
0x14: {  	[sflag:s11] =	ssyncset.done $0x0  }
0x15: {  	[sflag:s11] =	ssyncadd.s32 $0xFFFFFD80  }
0x16: {  	[tilespmem:s12], [sflag:$0x2] =	stream.linear.gather [hbm4b:s2+s4], $0x80, $0x38;
	[tilespmem:$0x2D80] =	vst v63  }
0x17: {  	_ =	swait.ge [sflag:s11], $0x80  }
0x18: {  	[sflag:s11] =	ssyncset.done $0x0  }
0x19: {  	[sflag:s11] =	ssyncadd.s32 $0xFFFFFF80  }
0x1a: {  	[tilespmem:s13], [sflag:$0x2] =	stream.linear.gather [hbm4b:s7+s4], $0x2800, $0x38;
	[tilespmem:$0x2D80] =	vst v63  }
0x1b: {  	_ =	swait.ge [sflag:s11], $0x2800  }
0x1c: {  	[sflag:s11] =	ssyncset.done $0x0  }
0x1d: {  	[sflag:s11] =	ssyncadd.s32 $0xFFFFD800  }
0x1e: {  	s17 =	simm.s32 $0x280;
	[bflag:$0x0] =	sbarrier.arrive $0xFFFF  }
0x1f: {  	[spmem:s3] =	stream.indirect.scatter.add.f32 [tilespmem:s12], [sflag:$0x1], $0x1, s17, s14, $0xb8;
	[tilespmem:$0x2D80] =	vst v63  }
0x20: {  	s24 =	simm.s32 $0x300  }
0x21: {  	[spmem:s3] =	stream.indirect.scatter.add.f32 [tilespmem:s12], [sflag:$0x1], $0x1, s24, s14, $0xb8;
	[tilespmem:$0x2D80] =	vst v63  }
0x22: {  	s25 =	simm.s32 $0x380  }
0x23: {  	[spmem:s3] =	stream.indirect.scatter.add.f32 [tilespmem:s12], [sflag:$0x1], $0x1, s25, s14, $0xb8;
	[tilespmem:$0x2D80] =	vst v63  }
0x24: {  	s26 =	simm.s32 $0x400  }
0x25: {  	[spmem:s3] =	stream.indirect.scatter.add.f32 [tilespmem:s12], [sflag:$0x1], $0x1, s26, s14, $0xb8;
	[tilespmem:$0x2D80] =	vst v63  }
0x26: {  	s28 =	simm.s32 $0x480  }
0x27: {  	[spmem:s3] =	stream.indirect.scatter.add.f32 [tilespmem:s12], [sflag:$0x1], $0x1, s28, s14, $0xb8;
	[tilespmem:$0x2D80] =	vst v63  }
0x28: {  	s29 =	simm.s32 $0x500  }
0x29: {  	[spmem:s3] =	stream.indirect.scatter.add.f32 [tilespmem:s12], [sflag:$0x1], $0x1, s29, s14, $0xb8;
	[tilespmem:$0x2D80] =	vst v63  }
0x2a: {  	s30 =	simm.s32 $0x580  }
0x2b: {  	[spmem:s3] =	stream.indirect.scatter.add.f32 [tilespmem:s12], [sflag:$0x1], $0x1, s30, s14, $0xb8;
	[tilespmem:$0x2D80] =	vst v63  }
0x2c: {  	s31 =	simm.s32 $0x600  }
0x2d: {  	[spmem:s3] =	stream.indirect.scatter.add.f32 [tilespmem:s12], [sflag:$0x1], $0x1, s31, s14, $0xb8;
	[tilespmem:$0x2D80] =	vst v63  }
0x2e: {  	_ =	swait.ge [sflag:s15], $0x80  }
0x2f: {  	[sflag:s15] =	ssyncset.done $0x0  }
0x30: {  	[sflag:s15] =	ssyncadd.s32 $0xFFFFFF80  }
0x31: {  	_ =	swait.ge [sflag:s15], $0x80  }
0x32: {  	[sflag:s15] =	ssyncset.done $0x0  }
0x33: {  	[sflag:s15] =	ssyncadd.s32 $0xFFFFFF80  }
0x34: {  	_ =	swait.ge [sflag:s15], $0x80  }
0x35: {  	[sflag:s15] =	ssyncset.done $0x0  }
0x36: {  	[sflag:s15] =	ssyncadd.s32 $0xFFFFFF80  }
0x37: {  	_ =	swait.ge [sflag:s15], $0x80  }
0x38: {  	[sflag:s15] =	ssyncset.done $0x0  }
0x39: {  	[sflag:s15] =	ssyncadd.s32 $0xFFFFFF80  }
0x3a: {  	_ =	swait.ge [sflag:s15], $0x80  }
0x3b: {  	[sflag:s15] =	ssyncset.done $0x0  }
0x3c: {  	[sflag:s15] =	ssyncadd.s32 $0xFFFFFF80  }
0x3d: {  	_ =	swait.ge [sflag:s15], $0x80  }
0x3e: {  	[sflag:s15] =	ssyncset.done $0x0  }
0x3f: {  	[sflag:s15] =	ssyncadd.s32 $0xFFFFFF80  }
0x40: {  	_ =	swait.ge [sflag:s15], $0x80  }
0x41: {  	[sflag:s15] =	ssyncset.done $0x0  }
0x42: {  	[sflag:s15] =	ssyncadd.s32 $0xFFFFFF80  }
0x43: {  	_ =	swait.ge [sflag:s15], $0x80  }
0x44: {  	s20 =	simm.s32 $0x2000;
	s19 =	simm.s32 $0x400;
	[sflag:s15] =	ssyncset.done $0x0  }
.LBB2_2:
0x45: {  	s21 =	sadd.s32 $0x280, s19  }
0x46: {  	[sflag:s15] =	ssyncadd.s32 $0xFFFFFF80;
	s18 =	smov.u32 s20;
	s17 =	sadd.s32 $0x1000, s20  }
0x47: {  	[spmem:s3] =	stream.indirect.scatter.add.f32 [tilespmem:s12], [sflag:$0x1], $0x1, s21, s14, $0xb8;
	[tilespmem:$0x2D80] =	vst v63  }
0x48: {  	p0 =	sne.s32 s20, $0x9000;
	s20 =	sadd.s32 $0x300, s19  }
0x49: {  	[spmem:s3] =	stream.indirect.scatter.add.f32 [tilespmem:s12], [sflag:$0x1], $0x1, s20, s14, $0xb8;
	[tilespmem:$0x2D80] =	vst v63  }
0x4a: {  	s20 =	sadd.s32 $0x380, s19  }
0x4b: {  	[spmem:s3] =	stream.indirect.scatter.add.f32 [tilespmem:s12], [sflag:$0x1], $0x1, s20, s14, $0xb8;
	[tilespmem:$0x2D80] =	vst v63  }
0x4c: {  	s20 =	sadd.s32 $0x400, s19  }
0x4d: {  	[spmem:s3] =	stream.indirect.scatter.add.f32 [tilespmem:s12], [sflag:$0x1], $0x1, s20, s14, $0xb8;
	[tilespmem:$0x2D80] =	vst v63  }
0x4e: {  	s20 =	sadd.s32 $0x480, s19  }
0x4f: {  	[spmem:s3] =	stream.indirect.scatter.add.f32 [tilespmem:s12], [sflag:$0x1], $0x1, s20, s14, $0xb8;
	[tilespmem:$0x2D80] =	vst v63  }
0x50: {  	s20 =	sadd.s32 $0x500, s19  }
0x51: {  	[spmem:s3] =	stream.indirect.scatter.add.f32 [tilespmem:s12], [sflag:$0x1], $0x1, s20, s14, $0xb8;
	[tilespmem:$0x2D80] =	vst v63  }
0x52: {  	s20 =	sadd.s32 $0x580, s19  }
0x53: {  	[spmem:s3] =	stream.indirect.scatter.add.f32 [tilespmem:s12], [sflag:$0x1], $0x1, s20, s14, $0xb8;
	[tilespmem:$0x2D80] =	vst v63  }
0x54: {  	s19 =	sadd.s32 $0x600, s19  }
0x55: {  	[spmem:s3] =	stream.indirect.scatter.add.f32 [tilespmem:s12], [sflag:$0x1], $0x1, s19, s14, $0xb8;
	[tilespmem:$0x2D80] =	vst v63  }
0x56: {  	_ =	swait.ge [sflag:s15], $0x80  }
0x57: {  	[sflag:s15] =	ssyncset.done $0x0  }
0x58: {  	[sflag:s15] =	ssyncadd.s32 $0xFFFFFF80  }
0x59: {  	_ =	swait.ge [sflag:s15], $0x80  }
0x5a: {  	[sflag:s15] =	ssyncset.done $0x0  }
0x5b: {  	[sflag:s15] =	ssyncadd.s32 $0xFFFFFF80  }
0x5c: {  	_ =	swait.ge [sflag:s15], $0x80  }
0x5d: {  	[sflag:s15] =	ssyncset.done $0x0  }
0x5e: {  	[sflag:s15] =	ssyncadd.s32 $0xFFFFFF80  }
0x5f: {  	_ =	swait.ge [sflag:s15], $0x80  }
0x60: {  	[sflag:s15] =	ssyncset.done $0x0  }
0x61: {  	[sflag:s15] =	ssyncadd.s32 $0xFFFFFF80  }
0x62: {  	_ =	swait.ge [sflag:s15], $0x80  }
0x63: {  	[sflag:s15] =	ssyncset.done $0x0  }
0x64: {  	[sflag:s15] =	ssyncadd.s32 $0xFFFFFF80  }
0x65: {  	_ =	swait.ge [sflag:s15], $0x80  }
0x66: {  	[sflag:s15] =	ssyncset.done $0x0  }
0x67: {  	[sflag:s15] =	ssyncadd.s32 $0xFFFFFF80  }
.Ltmp0:
0x68: {  	_ =	swait.ge [sflag:s15], $0x80;
	(pc) =	sbr.rel @p0 .LBB2_2-.Ltmp0, $4  }
0x69: {  	[sflag:s15] =	ssyncset.done $0x0  }
0x6a: {  	[sflag:s15] =	ssyncadd.s32 $0xFFFFFF80  }
0x6b: {  	_ =	swait.ge [sflag:s15], $0x80  }
0x6c: {  	s20 =	smov.u32 s17;
	s19 =	sshra.s32 s18, $0x2;
	[sflag:s15] =	ssyncset.done $0x0  }
0x6d: {  	s17 =	sadd.s32 $0x280, s19;
	[sflag:s15] =	ssyncadd.s32 $0xFFFFFF80  }
0x6e: {  	[spmem:s3] =	stream.indirect.scatter.add.f32 [tilespmem:s12], [sflag:$0x1], $0x1, s17, s14, $0xb8;
	[tilespmem:$0x2D80] =	vst v63  }
0x6f: {  	s24 =	sadd.s32 $0x300, s19  }
0x70: {  	[spmem:s3] =	stream.indirect.scatter.add.f32 [tilespmem:s12], [sflag:$0x1], $0x1, s24, s14, $0xb8;
	[tilespmem:$0x2D80] =	vst v63  }
0x71: {  	s25 =	sadd.s32 $0x380, s19  }
0x72: {  	[spmem:s3] =	stream.indirect.scatter.add.f32 [tilespmem:s12], [sflag:$0x1], $0x1, s25, s14, $0xb8;
	[tilespmem:$0x2D80] =	vst v63  }
0x73: {  	s26 =	sadd.s32 $0x400, s19  }
0x74: {  	[spmem:s3] =	stream.indirect.scatter.add.f32 [tilespmem:s12], [sflag:$0x1], $0x1, s26, s14, $0xb8;
	[tilespmem:$0x2D80] =	vst v63  }
0x75: {  	s28 =	sadd.s32 $0x480, s19  }
0x76: {  	[spmem:s3] =	stream.indirect.scatter.add.f32 [tilespmem:s12], [sflag:$0x1], $0x1, s28, s14, $0xb8;
	[tilespmem:$0x2D80] =	vst v63  }
0x77: {  	s29 =	sadd.s32 $0x500, s19  }
0x78: {  	[spmem:s3] =	stream.indirect.scatter.add.f32 [tilespmem:s12], [sflag:$0x1], $0x1, s29, s14, $0xb8;
	[tilespmem:$0x2D80] =	vst v63  }
0x79: {  	s30 =	sadd.s32 $0x580, s19  }
0x7a: {  	[spmem:s3] =	stream.indirect.scatter.add.f32 [tilespmem:s12], [sflag:$0x1], $0x1, s30, s14, $0xb8;
	[tilespmem:$0x2D80] =	vst v63  }
0x7b: {  	s31 =	sadd.s32 $0x600, s19  }
0x7c: {  	[spmem:s3] =	stream.indirect.scatter.add.f32 [tilespmem:s12], [sflag:$0x1], $0x1, s31, s14, $0xb8;
	[tilespmem:$0x2D80] =	vst v63  }
0x7d: {  	_ =	swait.ge [sflag:s15], $0x80  }
0x7e: {  	[sflag:s15] =	ssyncset.done $0x0  }
0x7f: {  	[sflag:s15] =	ssyncadd.s32 $0xFFFFFF80  }
0x80: {  	_ =	swait.ge [sflag:s15], $0x80  }
0x81: {  	[sflag:s15] =	ssyncset.done $0x0  }
0x82: {  	[sflag:s15] =	ssyncadd.s32 $0xFFFFFF80  }
0x83: {  	_ =	swait.ge [sflag:s15], $0x80  }
0x84: {  	[sflag:s15] =	ssyncset.done $0x0  }
0x85: {  	[sflag:s15] =	ssyncadd.s32 $0xFFFFFF80  }
0x86: {  	_ =	swait.ge [sflag:s15], $0x80  }
0x87: {  	[sflag:s15] =	ssyncset.done $0x0  }
0x88: {  	[sflag:s15] =	ssyncadd.s32 $0xFFFFFF80  }
0x89: {  	_ =	swait.ge [sflag:s15], $0x80  }
0x8a: {  	[sflag:s15] =	ssyncset.done $0x0  }
0x8b: {  	[sflag:s15] =	ssyncadd.s32 $0xFFFFFF80  }
0x8c: {  	_ =	swait.ge [sflag:s15], $0x80  }
0x8d: {  	[sflag:s15] =	ssyncset.done $0x0  }
0x8e: {  	[sflag:s15] =	ssyncadd.s32 $0xFFFFFF80  }
0x8f: {  	_ =	swait.ge [sflag:s15], $0x80  }
0x90: {  	[sflag:s15] =	ssyncset.done $0x0  }
0x91: {  	[sflag:s15] =	ssyncadd.s32 $0xFFFFFF80  }
0x92: {  	_ =	swait.ge [sflag:s15], $0x80  }
0x93: {  	[sflag:s15] =	ssyncset.done $0x0  }
0x94: {  	[sflag:s15] =	ssyncadd.s32 $0xFFFFFF80  }
0x95: {  	[bflag:$0x0] =	sbarrier.arrive $0xFFFF  }
0x96: {  	[tilespmem:s10], [sflag:$0x2] =	stream.linear.gather [spmem:s6], $0x280, $0x38;
	[tilespmem:$0x2D80] =	vst v63  }
0x97: {  	s16 =	sadd.s32 $0x1, s16;
	_ =	swait.ge [sflag:s11], $0x280  }
0x98: {  	p0 =	sne.s32 s16, s9;
	[sflag:s11] =	ssyncset.done $0x0  }
.Ltmp1:
0x99: {  	[sflag:s11] =	ssyncadd.s32 $0xFFFFFD80;
	(pc) =	sbr.rel @p0 .LBB2_1-.Ltmp1, $4  }
0x9a: {  	[hbm4b:s8+s4] =	stream.linear.scatter [tilespmem:s10], [sflag:$0x2], $0x280, $0x38;
	[tilespmem:$0x2D80] =	vst v63  }
0x9b: {  	_ =	swait.ge [sflag:s11], $0x280  }
0x9c: {  	[sflag:s11] =	ssyncset.done $0x0  }
0x9d: {  	[sflag:s11] =	ssyncadd.s32 $0xFFFFFD80  }
0x9e: {  	_ =	sfence.sel $0x180000  }
0x9f: {  	[bflag:$0x0] =	sbarrier.arrive $0xFFFF  }
0xa0: {  	p0 =	sne.s32 s1, $0x0;
	_ =	strace $0x90000047  }
0xa1: {  	s0 =	sadd.s32 @!p0 $0x100000, s0;
	[bflag:$0x2] =	sbarrier.arrive $0xFFFF  }
0xa2: {  	[sflag:s0] =	ssyncadd.tile.s32 @!p0 $0x1;
	_ =	shalt  }
.Lfunc_end2:
_tile_overlayer_lowered:
.L_overlay_start_2:
0xa3: {  	(tag) =	ssettag $0x2  }
0xa4: {  	s0 =	rddreg [dreg:$0x0];
	s2 =	stileid.u32  }
0xa5: {  	s1 =	rddreg [dreg:$0x1];
	p0 =	sne.s32 s2, $0x0  }
0xa6: {  	s3 =	rddreg [dreg:$0x2];
	[bflag:$0x3] =	sbarrier.arrive $0xFFFF;
	s2 =	simm.s32 @!p0 $0x1C02  }
0xa7: {  	[timem:s3], [sflag:s2] =	dma.local @!p0 [hbm:s0], s1  }
0xa8: {  	s0 =	simm.s32 @!p0 $0x2  }
0xa9: {  	_ =	swait.ge @!p0 [sflag:s0], s1  }
0xaa: {  	s1 =	ssub.s32 @!p0 $0x0, s1;
	[sflag:s0] =	ssyncset.done @!p0 $0x0  }
0xab: {  	[sflag:s0] =	ssyncadd.s32 @!p0 s1  }
0xac: {  	[bflag:$0x3] =	sbarrier.arrive $0xFFFF  }
0xad: {  	_ =	shalt  }

// kernel: kernel.9.cloned.1.call-start
scs
__scs_entry_jumppad:
0x0: {  	(pc) =	sbr.rel $0x88, $3  }
0x1: {  	(tag) =	ssettag $0x0;
	lr =	simm.s32 $0x1  }
0x2: {  	[smem:$0x3F99] =	sst lr;
	_ =	strace $0xD0000000  }
0x3: {  	_ = 	snop  }
0x4: {  	_ = 	snop  }
0x5: {  	_ = 	snop  }
0x6: {  	_ = 	snop  }
0x7: {  	_ = 	snop  }
__scs_overlays_trampoline_lowered:
0x8: {  	[smem:$0x3FA8] =	sst s0  }
0x9: {  	[smem:$0x3FA9] =	sst s1  }
0xa: {  	[smem:$0x3FAA] =	sst s2  }
0xb: {  	[smem:$0x3FAB] =	sst s3  }
0xc: {  	[smem:$0x3FAC] =	sst s4  }
0xd: {  	[smem:$0x3FAD] =	sst s5  }
0xe: {  	[smem:$0x3FAE] =	sst s6  }
0xf: {  	[smem:$0x3FAF] =	sst s7  }
0x10: {  	[smem:$0x3FB0] =	sst s8  }
0x11: {  	[smem:$0x3FB1] =	sst s9;
	s0 =	simm.s32 @!p0 $0x0  }
0x12: {  	s1 =	sld [smem:$0x3F97];
	s0 =	simm.s32 @p0 $0x1  }
0x13: {  	[smem:$0x3FB2] =	sst s0;
	s0 =	simm.s32 @!p1 $0x0  }
0x14: {  	s2 =	sld [smem:$0x3F96];
	s0 =	simm.s32 @p1 $0x1  }
0x15: {  	[smem:$0x3FB3] =	sst s0;
	s0 =	simm.s32 @!p2 $0x0  }
0x16: {  	s3 =	sld [smem:$0x3FDB];
	s0 =	simm.s32 @p2 $0x1  }
0x17: {  	s4 =	simm.s32 $0x1BF5;
	[smem:$0x3FB5] =	sst s0  }
0x18: {  	s0 =	sld [smem:$0x3F98];
	_ =	swait.ge [sflag:s4], $0x0  }
0x19: {  	s7 =	sld [smem:$0x3F99]  }
0x1a: {  	s8 =	sadd.s32 $0xFFFFE003, lr  }
0x1b: {  	s9 =	sadd.s32 $0xFFFFFEF7, lr;
	s5 =	simm.s32 $0xFFFFFFFF;
	p2 =	slt.u32 s8, $0xFFFFF086  }
0x1c: {  	p1 =	slt.u32 s9, $0xF7A;
	s5 =	simm.s32 @!p2 $0x0  }
0x1d: {  	s5 =	simm.s32 @p1 $0x1;
	p0 =	seq.s32 s7, s2  }
0x1e: {  	s7 =	smul.u32 @!p0 $0xF7A, s2;
	p2 =	seq.s32 @!p0 s5, $0x0  }
0x1f: {  	s9 =	smul.u32 $0xF7A, s1;
	s8 =	simm.s32 @!p0 $0x1BF5;
	p2 =	por !p2, p0  }
0x20: {  	[sflag:s8] =	ssyncset.s32 @!p0 $0xFFFFF086;
	s6 =	sadd.s32 @!p0 s3, s7;
	s7 =	simm.s32 @!p0 $0x108  }
0x21: {  	s3 =	sadd.s32 s3, s9;
	s6 =	sadd.s32 @!p0 $0x88, s6;
	s7 =	simm.s32 @p2 $0x1082  }
0x22: {  	[simem:s7], [sflag:s8] =	dma.local @!p0 [hbm:s6], $0xF7A  }
0x23: {  	s9 =	sor.u32 $0xD0000000, s2;
	s6 =	simm.s32 $0x108;
	_ =	swait.ge @!p0 [sflag:s8], $0x0  }
0x24: {  	s3 =	sadd.s32 $0x88, s3;
	s6 =	simm.s32 @!p1 $0x1082;
	[sflag:s4] =	ssyncset.s32 $0xFFFFF086  }
0x25: {  	[simem:s6], [sflag:s4] =	dma.local [hbm:s3], $0xF7A  }
0x26: {  	[smem:$0x3F99] =	sst s1;
	(tag) =	ssettag s2;
	_ =	strace s9  }
0x27: {  	s1 =	sld [smem:$0x3FA9]  }
0x28: {  	s2 =	sld [smem:$0x3FAA]  }
0x29: {  	s4 =	sld [smem:$0x3FAC]  }
0x2a: {  	p0 =	seq.s32 s5, $0x0;
	s5 =	sld [smem:$0x3FAD]  }
0x2b: {  	s6 =	sld [smem:$0x3FAE]  }
0x2c: {  	s7 =	sld [smem:$0x3FAF]  }
0x2d: {  	s3 =	simm.s32 $0x108;
	s8 =	sld [smem:$0x3FB0]  }
0x2e: {  	s3 =	simm.s32 @!p0 $0x1082;
	s9 =	sld [smem:$0x3FB1]  }
0x2f: {  	lr =	sadd.s32 s0, s3;
	s0 =	sld [smem:$0x3FA8]  }
0x30: {  	s3 =	sld [smem:$0x3FAB]  }
0x31: {  	[smem:$0x3FB4] =	sst s10  }
0x32: {  	s10 =	sld [smem:$0x3FB2];
	_ =	sdelay $0x3  }
0x33: {  	p0 =	seq.s32 s10, $0x1;
	s10 =	sld [smem:$0x3FB4];
	_ =	sdelay $0x3  }
0x34: {  	[smem:$0x3FB4] =	sst s10  }
0x35: {  	s10 =	sld [smem:$0x3FB3];
	_ =	sdelay $0x3  }
0x36: {  	p1 =	seq.s32 s10, $0x1;
	s10 =	sld [smem:$0x3FB4];
	_ =	sdelay $0x3  }
0x37: {  	[smem:$0x3FB4] =	sst s10  }
0x38: {  	s10 =	sld [smem:$0x3FB5]  }
0x39: {  	_ = 	snop;
	(pc) =	sbr.ind lr, $3  }
0x3a: {  	_ = 	snop  }
0x3b: {  	_ = 	snop  }
0x3c: {  	p2 =	seq.s32 s10, $0x1;
	s10 =	sld [smem:$0x3FB4]  }
0x3d: {  	_ =	shalt  }
0x3e: {  	_ =	shalt  }
0x3f: {  	_ =	shalt  }
0x40: {  	_ =	shalt  }
0x41: {  	_ =	shalt  }
0x42: {  	_ =	shalt  }
0x43: {  	_ =	shalt  }
0x44: {  	_ =	shalt  }
0x45: {  	_ =	shalt  }
0x46: {  	_ =	shalt  }
0x47: {  	_ =	shalt  }
0x48: {  	_ =	shalt  }
0x49: {  	_ =	shalt  }
0x4a: {  	_ =	shalt  }
0x4b: {  	_ =	shalt  }
0x4c: {  	_ =	shalt  }
0x4d: {  	_ =	shalt  }
0x4e: {  	_ =	shalt  }
0x4f: {  	_ =	shalt  }
0x50: {  	_ =	shalt  }
0x51: {  	_ =	shalt  }
0x52: {  	_ =	shalt  }
0x53: {  	_ =	shalt  }
0x54: {  	_ =	shalt  }
0x55: {  	_ =	shalt  }
0x56: {  	_ =	shalt  }
0x57: {  	_ =	shalt  }
0x58: {  	_ =	shalt  }
0x59: {  	_ =	shalt  }
0x5a: {  	_ =	shalt  }
0x5b: {  	_ =	shalt  }
0x5c: {  	_ =	shalt  }
0x5d: {  	_ =	shalt  }
0x5e: {  	_ =	shalt  }
0x5f: {  	_ =	shalt  }
0x60: {  	_ =	shalt  }
0x61: {  	_ =	shalt  }
0x62: {  	_ =	shalt  }
0x63: {  	_ =	shalt  }
0x64: {  	_ =	shalt  }
0x65: {  	_ =	shalt  }
0x66: {  	_ =	shalt  }
0x67: {  	_ =	shalt  }
0x68: {  	_ =	shalt  }
0x69: {  	_ =	shalt  }
0x6a: {  	_ =	shalt  }
0x6b: {  	_ =	shalt  }
0x6c: {  	_ =	shalt  }
0x6d: {  	_ =	shalt  }
0x6e: {  	_ =	shalt  }
0x6f: {  	_ =	shalt  }
0x70: {  	_ =	shalt  }
0x71: {  	_ =	shalt  }
0x72: {  	_ =	shalt  }
0x73: {  	_ =	shalt  }
0x74: {  	_ =	shalt  }
0x75: {  	_ =	shalt  }
0x76: {  	_ =	shalt  }
0x77: {  	_ =	shalt  }
0x78: {  	_ =	shalt  }
0x79: {  	_ =	shalt  }
0x7a: {  	_ =	shalt  }
0x7b: {  	_ =	shalt  }
0x7c: {  	_ =	shalt  }
0x7d: {  	_ =	shalt  }
0x7e: {  	_ =	shalt  }
0x7f: {  	_ =	shalt  }
0x80: {  	_ =	shalt  }
0x81: {  	_ =	shalt  }
0x82: {  	_ =	shalt  }
0x83: {  	_ =	shalt  }
0x84: {  	_ =	shalt  }
0x85: {  	_ =	shalt  }
0x86: {  	_ =	shalt  }
0x87: {  	_ =	shalt  }
.Lfunc_end0:
.L_simem_size_0:
called_computation.1_lowered:
.L_overlay_start_0:
0x88: {  	s2 =	sld [smem:$0x3FD9]  }
0x89: {  	s3 =	sld [smem:$0x3FFE];
	_ =	sdelay $0x1  }
0x8a: {  	s1 =	srdreg.scid  }
0x8b: {  	s0 =	sand.u32 $0x1, s1  }
0x8c: {  	s16 =	sshll.u32 s0, $0xA;
	s2 =	sadd.s32 s3, s2  }
0x8d: {  	s2 =	sadd.s32 s2, s16  }
0x8e: {  	[smem:$0x3FC0] =	sst s2  }
0x8f: {  	_ = 	snop  }
0x90: {  	(tm) =	ssettm $0x1  }
0x91: {  	s17 =	sld [smem:$0x3FFB];
	_ =	sdelay $0x3  }
0x92: {  	_ =	strace s17  }
0x93: {  	s2 =	sld [smem:$0x3FFC];
	_ =	sdelay $0x3  }
0x94: {  	_ =	strace s2  }
0x95: {  	s2 =	sld [smem:$0x3FFD];
	_ =	sdelay $0x3  }
0x96: {  	_ =	strace s2  }
0x97: {  	_ =	strace $0x8FFFFFFF  }
0x98: {  	s18 =	sld [smem:$0x3FDB];
	_ =	sdelay $0x1  }
0x99: {  	s19 =	simm.s32 $_scs_section_size  }
0x9a: {  	s4 =	simm.s32 $_size__tile_overlayer_lowered;
	s5 =	simm.s32 $_tile_overlayer_lowered  }
0x9b: {  	s22 =	simm.s32 $0x1BFF;
	s21 =	sshll.u32 s5, $0x1;
	s2 =	sadd.s32 s19, s18  }
0x9c: {  	s6 =	simm.s32 $0x0;
	s20 =	sshll.u32 s4, $0x1;
	s4 =	sadd.s32 s21, s2  }
0x9d: {  	[timem:s6], [sflag:s22] =	dma.local [hbm:s4], s20  }
0x9e: {  	_ =	swait.ge [sflag:s22], s20  }
0x9f: {  	s3 =	ssub.s32 $0x0, s20;
	[sflag:s22] =	ssyncset.done $0x0  }
0xa0: {  	[sflag:s22] =	ssyncadd.s32 s3;
	_ =	sdelay $0x1  }
0xa1: {  	s23 =	simm.s32 $0x1B8B  }
0xa2: {  	_ =	swait.ge [sflag:s23], $0x1  }
0xa3: {  	[sflag:s23] =	ssyncset.done $0x0  }
0xa4: {  	s25 =	simm.s32 $0x1B8E;
	s24 =	sld [smem:$0x3FFE];
	[sflag:s23] =	ssyncadd.s32 $0xFFFFFFFF  }
0xa5: {  	s26 =	simm.s32 $execute0_lowered;
	[smem:$0x3FD2] =	sst s25  }
0xa6: {  	s4 =	sshll.u32 s26, $0x1;
	_ =	strace $0x80000049;
	[dreg:$0x1] =	wrdreg $0xFFFFFFFF  }
0xa7: {  	s28 =	simm.s32 $_size_execute0_lowered;
	s2 =	sadd.s32 s2, s4;
	[dreg:$0x0] =	wrdreg $0x0  }
0xa8: {  	s4 =	sshll.u32 s28, $0x1;
	[dreg:$0x2] =	wrdreg s2  }
0xa9: {  	[dreg:$0x3] =	wrdreg s4  }
0xaa: {  	[dreg:$0x4] =	wrdreg $0xC0  }
0xab: {  	_ =	task [dreg:s6], $0x5FFFF  }
0xac: {  	[dreg:$0x1] =	wrdreg $0xFFFFFFFF  }
0xad: {  	[dreg:$0x0] =	wrdreg $0x60  }
0xae: {  	[dreg:$0x2] =	wrdreg s24  }
0xaf: {  	[dreg:$0x3] =	wrdreg $0x0  }
0xb0: {  	[dreg:$0x4] =	wrdreg $0x140000  }
0xb1: {  	[dreg:$0x5] =	wrdreg $0x9  }
0xb2: {  	_ =	task.clear_ibuf [dreg:s6], $0x6FFFF;
	_ =	strace $0x90000049  }
0xb3: {  	s29 =	simm.s32 $0x9;
	_ =	strace $0x8000004B  }
0xb4: {  	_ =	swait.ge [sflag:s29], $0x1  }
0xb5: {  	[sflag:s29] =	ssyncadd.s32 $0xFFFFFFFF  }
0xb6: {  	_ =	strace $0x9000004B  }
0xb7: {  	_ =	sfence  }
0xb8: {  	s30 =	sld [smem:$0x0];
	_ =	sdelay $0x2  }
0xb9: {  	s31 =	sshll.u32 s1, $0xD;
	s1 =	sshrl.u32 s1, $0x2  }
0xba: {  	s3 =	sand.u32 $0x4000, s31;
	s1 =	sadd.s32 s1, s30  }
0xbb: {  	s0 =	sor.u32 s3, s0;
	s1 =	sshll.u32 s1, $0x11  }
0xbc: {  	s0 =	sor.u32 s1, s0  }
0xbd: {  	s0 =	sadd.s32 $0x8F2B, s0  }
0xbe: {  	[sflag:s0] =	ssyncadd.remote.s32 $0x1  }
0xbf: {  	_ =	sfence.sel $0xFFFF  }
0xc0: {  	[dreg:$0x0] =	wrdreg $0xFFFFFFFF;
	(pc) =	sbr.abs _section_cstart, $3  }
0xc1: {  	[dreg:$0x1] =	wrdreg $0xFFFFFFFF  }
0xc2: {  	_ =	task.clear_ibuf [dreg:s6], $0x2FFFF;
	_ =	strace $0x9FFFFFFF  }
0xc3: {  	(tm) =	ssettm $0x7FFFFFFF  }
tec
execute0_lowered:
.L_overlay_start_1:
0x0: {  	(tag) =	ssettag $0x1  }
0x1: {  	s0 =	srdreg.scid;
	s3 =	rddreg [dreg:$0x0]  }
0x2: {  	s14 =	stileid.u32;
	s1 =	rddreg [dreg:$0x1];
	s2 =	simm.s32 $0x0  }
0x3: {  	s0 =	sand.u32 $0x1, s0;
	[smem:$0x7FF] =	sst s2;
	s7 =	smul.u32 $0x280, s14  }
0x4: {  	s5 =	sadd.s32 $0x48400, s3;
	s8 =	sadd.s32 $0x2600, s3;
	s11 =	smul.u32 $0x14000, s14  }
0x5: {  	s4 =	sshll.u32 s0, $0x4;
	s6 =	ssub.s32 $0x2, s0;
	s10 =	smul.u32 $0x140000, s0  }
0x6: {  	s0 =	smul.u32 $0x2800, s0;
	s4 =	sor.u32 s14, s4;
	s9 =	sshrl.u32 s6, $0x1  }
0x7: {  	s25 =	sadd.s32 $0x100, s7;
	s28 =	sadd.s32 $0x180, s7;
	s30 =	sadd.s32 $0x200, s7  }
0x8: {  	s4 =	smul.u32 $0x500, s4;
	s6 =	ssub.s32 s6, s9;
	s9 =	sadd.s32 $0x80, s7  }
0x9: {  	s24 =	sshll.u32 s25, $0x7;
	s26 =	sshll.u32 s28, $0x7;
	s11 =	sadd.s32 s11, s10  }
0xa: {  	s12 =	sadd.s32 s7, s0;
	s29 =	sshll.u32 s30, $0x7;
	s18 =	sadd.s32 s0, s25  }
0xb: {  	s22 =	sshll.u32 s9, $0x7;
	s11 =	sshrl.u32 s11, $0x3;
	s12 =	sshrl.u32 s12, $0x3  }
0xc: {  	s23 =	sadd.s32 s0, s9;
	s13 =	sadd.s32 s10, s24;
	s19 =	sadd.s32 s10, s26  }
0xd: {  	s24 =	sadd.s32 s24, s1;
	s26 =	sadd.s32 s26, s1;
	s31 =	smax.u32 s6, $0x1  }
0xe: {  	s6 =	simm.s32 $0x1;
	s11 =	sadd.s32 s5, s11;
	s20 =	sadd.s32 s8, s12  }
0xf: {  	s21 =	sadd.s32 s10, s22;
	s15 =	sshrl.u32 s23, $0x3;
	s16 =	sshrl.u32 s13, $0x3  }
0x10: {  	s10 =	sadd.s32 s10, s29;
	s12 =	rddreg [dreg:$0x2];
	s23 =	smul.u32 $0x50000, s14  }
0x11: {  	s4 =	sadd.s32 s4, s3;
	s22 =	sadd.s32 s22, s1;
	[dreg:$0x4] =	wrdreg s11  }
0x12: {  	s29 =	sadd.s32 s29, s1;
	[dreg:$0x5] =	wrdreg s20;
	s11 =	sshrl.u32 s21, $0x3  }
0x13: {  	s17 =	sadd.s32 s5, s16;
	s20 =	sshrl.u32 s19, $0x3;
	s10 =	sshrl.u32 s10, $0x3  }
0x14: {  	s21 =	sadd.s32 s0, s28;
	s0 =	sadd.s32 s0, s30;
	s16 =	sadd.s32 $0x1800, s3  }
0x15: {  	s19 =	sadd.s32 $0x16400, s4;
	s25 =	sadd.s32 s25, s12;
	s28 =	sadd.s32 s28, s12  }
0x16: {  	s30 =	sadd.s32 s30, s12;
	s11 =	sadd.s32 s5, s11;
	[dreg:$0x8] =	wrdreg s17  }
0x17: {  	s0 =	sshrl.u32 s0, $0x3;
	s17 =	sadd.s32 $0x1E00, s3;
	[dreg:$0x6] =	wrdreg s11  }
0x18: {  	s11 =	sadd.s32 s8, s15;
	s0 =	sadd.s32 s8, s0;
	s15 =	sadd.s32 $0x20400, s3  }
0x19: {  	s3 =	simm.s32 $0x1D280;
	[dreg:$0x7] =	wrdreg s11;
	s11 =	sshrl.u32 s18, $0x3  }
0x1a: {  	[dreg:$0xd] =	wrdreg s0;
	s0 =	sshrl.u32 s23, $0x2;
	s18 =	sadd.s32 $0xC400, s4  }
0x1b: {  	s23 =	sadd.s32 s9, s12;
	s4 =	simm.s32 $0x80;
	s11 =	sadd.s32 s8, s11  }
0x1c: {  	[dreg:$0x9] =	wrdreg s11;
	s11 =	sadd.s32 s5, s20;
	s5 =	sadd.s32 s5, s10  }
0x1d: {  	s20 =	sadd.s32 s0, s1;
	[dreg:$0xb] =	wrdreg s5;
	s5 =	sshrl.u32 s21, $0x3  }
0x1e: {  	s0 =	simm.s32 $0x3;
	[dreg:$0xa] =	wrdreg s11;
	s5 =	sadd.s32 s8, s5  }
0x1f: {  	s21 =	sadd.s32 s7, s12;
	s11 =	simm.s32 $0x19280;
	[dreg:$0xc] =	wrdreg s5  }
0x20: {  	v0 =	vimm.f32 $0.0e+00;
	s7 =	simm.s32 $0x0;
	s5 =	simm.s32 $0x2;
	_ =	strace $0x8000004A  }
.LBB2_1:
0x21: {  	s8 =	simm.s32 $0x14280  }
0x22: {  	[tilespmem:s8], [sflag:$0x3] =	stream.linear.gather [hbm4b:s18+s2], $0x2780, $0x38;
	[tilespmem:$0x1D300] =	vst v63  }
0x23: {  	_ =	swait.ge [sflag:s0], $0x2780  }
0x24: {  	[sflag:s0] =	ssyncset.done $0x0  }
0x25: {  	s13 =	simm.s32 $0x16A80;
	[sflag:s0] =	ssyncadd.s32 $0xFFFFD880  }
0x26: {  	[tilespmem:s13], [sflag:$0x3] =	stream.linear.gather [hbm4b:s19+s2], $0x2780, $0x38;
	[tilespmem:$0x1D300] =	vst v63  }
0x27: {  	_ =	swait.ge [sflag:s0], $0x2780  }
0x28: {  	[sflag:s0] =	ssyncset.done $0x0  }
0x29: {  	[sflag:s0] =	ssyncadd.s32 $0xFFFFD880  }
0x2a: {  	[tilespmem:s11], [sflag:$0x3] =	stream.linear.gather [hbm4b:s17+s2], $0x4000, $0x38;
	[tilespmem:$0x1D300] =	vst v63  }
0x2b: {  	_ =	swait.ge [sflag:s0], $0x4000  }
0x2c: {  	[sflag:s0] =	ssyncset.done $0x0  }
0x2d: {  	[sflag:s0] =	ssyncadd.s32 $0xFFFFC000  }
0x2e: {  	[tilespmem:$0x1D280] =	vst v0  }
0x2f: {  	[tilespmem:$0x1D290] =	vst v0  }
0x30: {  	[tilespmem:$0x1D2A0] =	vst v0  }
0x31: {  	[tilespmem:$0x1D2B0] =	vst v0  }
0x32: {  	[tilespmem:$0x1D2C0] =	vst v0  }
0x33: {  	[tilespmem:$0x1D2D0] =	vst v0  }
0x34: {  	[tilespmem:$0x1D2E0] =	vst v0  }
0x35: {  	[tilespmem:$0x1D2F0] =	vst v0  }
0x36: {  	[spmem:s20] =	stream.linear.scatter [tilespmem:s11], [sflag:$0x3], $0x4000, $0x38;
	[tilespmem:$0x1D300] =	vst v63  }
0x37: {  	_ =	swait.ge [sflag:s0], $0x4000  }
0x38: {  	[sflag:s0] =	ssyncset.done $0x0  }
0x39: {  	[sflag:s0] =	ssyncadd.s32 $0xFFFFC000  }
0x3a: {  	[spmem:s21] =	stream.linear.scatter [tilespmem:s3], [sflag:$0x3], $0x80, $0x38;
	[tilespmem:$0x1D300] =	vst v63  }
0x3b: {  	_ =	swait.ge [sflag:s0], $0x80  }
0x3c: {  	[sflag:s0] =	ssyncset.done $0x0  }
0x3d: {  	[sflag:s0] =	ssyncadd.s32 $0xFFFFFF80  }
0x3e: {  	[spmem:s22] =	stream.linear.scatter [tilespmem:s11], [sflag:$0x3], $0x4000, $0x38;
	[tilespmem:$0x1D300] =	vst v63  }
0x3f: {  	_ =	swait.ge [sflag:s0], $0x4000  }
0x40: {  	[sflag:s0] =	ssyncset.done $0x0  }
0x41: {  	[sflag:s0] =	ssyncadd.s32 $0xFFFFC000  }
0x42: {  	[spmem:s23] =	stream.linear.scatter [tilespmem:s3], [sflag:$0x3], $0x80, $0x38;
	[tilespmem:$0x1D300] =	vst v63  }
0x43: {  	_ =	swait.ge [sflag:s0], $0x80  }
0x44: {  	[sflag:s0] =	ssyncset.done $0x0  }
0x45: {  	[sflag:s0] =	ssyncadd.s32 $0xFFFFFF80  }
0x46: {  	[spmem:s24] =	stream.linear.scatter [tilespmem:s11], [sflag:$0x3], $0x4000, $0x38;
	[tilespmem:$0x1D300] =	vst v63  }
0x47: {  	_ =	swait.ge [sflag:s0], $0x4000  }
0x48: {  	[sflag:s0] =	ssyncset.done $0x0  }
0x49: {  	[sflag:s0] =	ssyncadd.s32 $0xFFFFC000  }
0x4a: {  	[spmem:s25] =	stream.linear.scatter [tilespmem:s3], [sflag:$0x3], $0x80, $0x38;
	[tilespmem:$0x1D300] =	vst v63  }
0x4b: {  	_ =	swait.ge [sflag:s0], $0x80  }
0x4c: {  	[sflag:s0] =	ssyncset.done $0x0  }
0x4d: {  	[sflag:s0] =	ssyncadd.s32 $0xFFFFFF80  }
0x4e: {  	[spmem:s26] =	stream.linear.scatter [tilespmem:s11], [sflag:$0x3], $0x4000, $0x38;
	[tilespmem:$0x1D300] =	vst v63  }
0x4f: {  	_ =	swait.ge [sflag:s0], $0x4000  }
0x50: {  	[sflag:s0] =	ssyncset.done $0x0  }
0x51: {  	[sflag:s0] =	ssyncadd.s32 $0xFFFFC000  }
0x52: {  	[spmem:s28] =	stream.linear.scatter [tilespmem:s3], [sflag:$0x3], $0x80, $0x38;
	[tilespmem:$0x1D300] =	vst v63  }
0x53: {  	_ =	swait.ge [sflag:s0], $0x80  }
0x54: {  	[sflag:s0] =	ssyncset.done $0x0  }
0x55: {  	[sflag:s0] =	ssyncadd.s32 $0xFFFFFF80  }
0x56: {  	[spmem:s29] =	stream.linear.scatter [tilespmem:s11], [sflag:$0x3], $0x4000, $0x38;
	[tilespmem:$0x1D300] =	vst v63  }
0x57: {  	_ =	swait.ge [sflag:s0], $0x4000  }
0x58: {  	[sflag:s0] =	ssyncset.done $0x0  }
0x59: {  	[sflag:s0] =	ssyncadd.s32 $0xFFFFC000  }
0x5a: {  	[spmem:s30] =	stream.linear.scatter [tilespmem:s3], [sflag:$0x3], $0x80, $0x38;
	[tilespmem:$0x1D300] =	vst v63  }
0x5b: {  	_ =	swait.ge [sflag:s0], $0x80  }
0x5c: {  	[sflag:s0] =	ssyncset.done $0x0  }
0x5d: {  	[sflag:s0] =	ssyncadd.s32 $0xFFFFFF80  }
0x5e: {  	s14 =	simm.s32 $0x14280;
	[bflag:$0x0] =	sbarrier.arrive $0xFFFF  }
0x5f: {  	[tilespmem:s11], [sflag:$0x1] =	stream.indirect.gather [hbm4b:s15+s4], $0x80, s14, s4, $0xb8;
	[tilespmem:$0x1D300] =	vst v63  }
0x60: {  	s9 =	simm.s32 $0x16A80  }
0x61: {  	[tilespmem:s3], [sflag:$0x2] =	stream.indirect.gather [hbm4b:s16+s4], $0x1, s9, s4, $0xb8;
	[tilespmem:$0x1D300] =	vst v63  }
0x62: {  	_ =	swait.ge [sflag:s5], $0x80  }
0x63: {  	[sflag:s5] =	ssyncset.done $0x0  }
0x64: {  	[sflag:s5] =	ssyncadd.s32 $0xFFFFFF80  }
0x65: {  	[spmem:s12] =	stream.indirect.scatter.add.f32 [tilespmem:s3], [sflag:$0x3], $0x1, s14, s4, $0xb8;
	[tilespmem:$0x1D300] =	vst v63  }
0x66: {  	_ =	swait.ge [sflag:s0], $0x80  }
0x67: {  	[sflag:s0] =	ssyncset.done $0x0  }
0x68: {  	[sflag:s0] =	ssyncadd.s32 $0xFFFFFF80  }
0x69: {  	_ =	swait.ge [sflag:s6], $0x4000  }
0x6a: {  	[sflag:s6] =	ssyncset.done $0x0  }
0x6b: {  	[sflag:s6] =	ssyncadd.s32 $0xFFFFC000  }
0x6c: {  	[spmem:s1] =	stream.indirect.scatter.add.f32 [tilespmem:s11], [sflag:$0x3], $0x80, s9, s4, $0xb8;
	[tilespmem:$0x1D300] =	vst v63  }
0x6d: {  	_ =	swait.ge [sflag:s0], $0x4000  }
0x6e: {  	s8 =	simm.s32 $0x80;
	s9 =	simm.s32 $0x400;
	[sflag:s0] =	ssyncset.done $0x0  }
.LBB2_2:
0x6f: {  	s10 =	sadd.s32 $0x14280, s8  }
0x70: {  	[sflag:s0] =	ssyncadd.s32 $0xFFFFC000;
	s13 =	smov.u32 s9;
	s14 =	sadd.s32 $0x200, s9  }
0x71: {  	[tilespmem:s11], [sflag:$0x1] =	stream.indirect.gather [hbm4b:s15+s4], $0x80, s10, s4, $0xb8;
	[tilespmem:$0x1D300] =	vst v63  }
0x72: {  	p0 =	sne.s32 s9, $0x9C00;
	s8 =	sadd.s32 $0x16A80, s8  }
0x73: {  	[tilespmem:s3], [sflag:$0x2] =	stream.indirect.gather [hbm4b:s16+s4], $0x1, s8, s4, $0xb8;
	[tilespmem:$0x1D300] =	vst v63  }
0x74: {  	_ =	swait.ge [sflag:s5], $0x80  }
0x75: {  	[sflag:s5] =	ssyncset.done $0x0  }
0x76: {  	[sflag:s5] =	ssyncadd.s32 $0xFFFFFF80  }
0x77: {  	[spmem:s12] =	stream.indirect.scatter.add.f32 [tilespmem:s3], [sflag:$0x3], $0x1, s10, s4, $0xb8;
	[tilespmem:$0x1D300] =	vst v63  }
0x78: {  	_ =	swait.ge [sflag:s0], $0x80  }
0x79: {  	[sflag:s0] =	ssyncset.done $0x0  }
0x7a: {  	[sflag:s0] =	ssyncadd.s32 $0xFFFFFF80  }
0x7b: {  	_ =	swait.ge [sflag:s6], $0x4000  }
.Ltmp0:
0x7c: {  	[sflag:s6] =	ssyncset.done $0x0;
	(pc) =	sbr.rel @p0 .LBB2_2-.Ltmp0, $4  }
0x7d: {  	[sflag:s6] =	ssyncadd.s32 $0xFFFFC000  }
0x7e: {  	[spmem:s1] =	stream.indirect.scatter.add.f32 [tilespmem:s11], [sflag:$0x3], $0x80, s8, s4, $0xb8;
	[tilespmem:$0x1D300] =	vst v63  }
0x7f: {  	_ =	swait.ge [sflag:s0], $0x4000  }
0x80: {  	s9 =	smov.u32 s14;
	s8 =	sshra.s32 s13, $0x2;
	[sflag:s0] =	ssyncset.done $0x0  }
0x81: {  	s9 =	sadd.s32 $0x14280, s8;
	[sflag:s0] =	ssyncadd.s32 $0xFFFFC000  }
0x82: {  	[tilespmem:s11], [sflag:$0x1] =	stream.indirect.gather [hbm4b:s15+s4], $0x80, s9, s4, $0xb8;
	[tilespmem:$0x1D300] =	vst v63  }
0x83: {  	s10 =	sadd.s32 $0x16A80, s8  }
0x84: {  	[tilespmem:s3], [sflag:$0x2] =	stream.indirect.gather [hbm4b:s16+s4], $0x1, s10, s4, $0xb8;
	[tilespmem:$0x1D300] =	vst v63  }
0x85: {  	_ =	swait.ge [sflag:s5], $0x80  }
0x86: {  	[sflag:s5] =	ssyncset.done $0x0  }
0x87: {  	[sflag:s5] =	ssyncadd.s32 $0xFFFFFF80  }
0x88: {  	[spmem:s12] =	stream.indirect.scatter.add.f32 [tilespmem:s3], [sflag:$0x3], $0x1, s9, s4, $0xb8;
	[tilespmem:$0x1D300] =	vst v63  }
0x89: {  	_ =	swait.ge [sflag:s0], $0x80  }
0x8a: {  	[sflag:s0] =	ssyncset.done $0x0  }
0x8b: {  	[sflag:s0] =	ssyncadd.s32 $0xFFFFFF80  }
0x8c: {  	_ =	swait.ge [sflag:s6], $0x4000  }
0x8d: {  	[sflag:s6] =	ssyncset.done $0x0  }
0x8e: {  	[sflag:s6] =	ssyncadd.s32 $0xFFFFC000  }
0x8f: {  	[spmem:s1] =	stream.indirect.scatter.add.f32 [tilespmem:s11], [sflag:$0x3], $0x80, s10, s4, $0xb8;
	[tilespmem:$0x1D300] =	vst v63  }
0x90: {  	_ =	swait.ge [sflag:s0], $0x4000  }
0x91: {  	[sflag:s0] =	ssyncset.done $0x0  }
0x92: {  	[sflag:s0] =	ssyncadd.s32 $0xFFFFC000  }
0x93: {  	[bflag:$0x0] =	sbarrier.arrive $0xFFFF  }
0x94: {  	[tilespmem:s11], [sflag:$0x3] =	stream.linear.gather [spmem:s20], $0x4000, $0x38;
	[tilespmem:$0x1D300] =	vst v63  }
0x95: {  	_ =	swait.ge [sflag:s0], $0x4000  }
0x96: {  	[sflag:s0] =	ssyncset.done $0x0  }
0x97: {  	s13 =	rddreg [dreg:$0x4];
	[sflag:s0] =	ssyncadd.s32 $0xFFFFC000  }
0x98: {  	[hbm4b:s13+s2] =	stream.linear.scatter [tilespmem:s11], [sflag:$0x3], $0x4000, $0x38;
	[tilespmem:$0x1D300] =	vst v63  }
0x99: {  	_ =	swait.ge [sflag:s0], $0x4000  }
0x9a: {  	[sflag:s0] =	ssyncset.done $0x0  }
0x9b: {  	[sflag:s0] =	ssyncadd.s32 $0xFFFFC000  }
0x9c: {  	[tilespmem:s3], [sflag:$0x3] =	stream.linear.gather [spmem:s21], $0x80, $0x38;
	[tilespmem:$0x1D300] =	vst v63  }
0x9d: {  	_ =	swait.ge [sflag:s0], $0x80  }
0x9e: {  	[sflag:s0] =	ssyncset.done $0x0  }
0x9f: {  	s14 =	rddreg [dreg:$0x5];
	[sflag:s0] =	ssyncadd.s32 $0xFFFFFF80  }
0xa0: {  	[hbm4b:s14+s2] =	stream.linear.scatter [tilespmem:s3], [sflag:$0x3], $0x80, $0x38;
	[tilespmem:$0x1D300] =	vst v63  }
0xa1: {  	_ =	swait.ge [sflag:s0], $0x80  }
0xa2: {  	[sflag:s0] =	ssyncset.done $0x0  }
0xa3: {  	[sflag:s0] =	ssyncadd.s32 $0xFFFFFF80  }
0xa4: {  	[tilespmem:s11], [sflag:$0x3] =	stream.linear.gather [spmem:s22], $0x4000, $0x38;
	[tilespmem:$0x1D300] =	vst v63  }
0xa5: {  	_ =	swait.ge [sflag:s0], $0x4000  }
0xa6: {  	[sflag:s0] =	ssyncset.done $0x0  }
0xa7: {  	s9 =	rddreg [dreg:$0x6];
	[sflag:s0] =	ssyncadd.s32 $0xFFFFC000  }
0xa8: {  	[hbm4b:s9+s2] =	stream.linear.scatter [tilespmem:s11], [sflag:$0x3], $0x4000, $0x38;
	[tilespmem:$0x1D300] =	vst v63  }
0xa9: {  	_ =	swait.ge [sflag:s0], $0x4000  }
0xaa: {  	[sflag:s0] =	ssyncset.done $0x0  }
0xab: {  	[sflag:s0] =	ssyncadd.s32 $0xFFFFC000  }
0xac: {  	[tilespmem:s3], [sflag:$0x3] =	stream.linear.gather [spmem:s23], $0x80, $0x38;
	[tilespmem:$0x1D300] =	vst v63  }
0xad: {  	_ =	swait.ge [sflag:s0], $0x80  }
0xae: {  	[sflag:s0] =	ssyncset.done $0x0  }
0xaf: {  	s10 =	rddreg [dreg:$0x7];
	[sflag:s0] =	ssyncadd.s32 $0xFFFFFF80  }
0xb0: {  	[hbm4b:s10+s2] =	stream.linear.scatter [tilespmem:s3], [sflag:$0x3], $0x80, $0x38;
	[tilespmem:$0x1D300] =	vst v63  }
0xb1: {  	_ =	swait.ge [sflag:s0], $0x80  }
0xb2: {  	[sflag:s0] =	ssyncset.done $0x0  }
0xb3: {  	[sflag:s0] =	ssyncadd.s32 $0xFFFFFF80  }
0xb4: {  	[tilespmem:s11], [sflag:$0x3] =	stream.linear.gather [spmem:s24], $0x4000, $0x38;
	[tilespmem:$0x1D300] =	vst v63  }
0xb5: {  	_ =	swait.ge [sflag:s0], $0x4000  }
0xb6: {  	[sflag:s0] =	ssyncset.done $0x0  }
0xb7: {  	s13 =	rddreg [dreg:$0x8];
	[sflag:s0] =	ssyncadd.s32 $0xFFFFC000  }
0xb8: {  	[hbm4b:s13+s2] =	stream.linear.scatter [tilespmem:s11], [sflag:$0x3], $0x4000, $0x38;
	[tilespmem:$0x1D300] =	vst v63  }
0xb9: {  	_ =	swait.ge [sflag:s0], $0x4000  }
0xba: {  	[sflag:s0] =	ssyncset.done $0x0  }
0xbb: {  	[sflag:s0] =	ssyncadd.s32 $0xFFFFC000  }
0xbc: {  	[tilespmem:s3], [sflag:$0x3] =	stream.linear.gather [spmem:s25], $0x80, $0x38;
	[tilespmem:$0x1D300] =	vst v63  }
0xbd: {  	_ =	swait.ge [sflag:s0], $0x80  }
0xbe: {  	[sflag:s0] =	ssyncset.done $0x0  }
0xbf: {  	s14 =	rddreg [dreg:$0x9];
	[sflag:s0] =	ssyncadd.s32 $0xFFFFFF80  }
0xc0: {  	[hbm4b:s14+s2] =	stream.linear.scatter [tilespmem:s3], [sflag:$0x3], $0x80, $0x38;
	[tilespmem:$0x1D300] =	vst v63  }
0xc1: {  	_ =	swait.ge [sflag:s0], $0x80  }
0xc2: {  	[sflag:s0] =	ssyncset.done $0x0  }
0xc3: {  	[sflag:s0] =	ssyncadd.s32 $0xFFFFFF80  }
0xc4: {  	[tilespmem:s11], [sflag:$0x3] =	stream.linear.gather [spmem:s26], $0x4000, $0x38;
	[tilespmem:$0x1D300] =	vst v63  }
0xc5: {  	_ =	swait.ge [sflag:s0], $0x4000  }
0xc6: {  	[sflag:s0] =	ssyncset.done $0x0  }
0xc7: {  	s9 =	rddreg [dreg:$0xa];
	[sflag:s0] =	ssyncadd.s32 $0xFFFFC000  }
0xc8: {  	[hbm4b:s9+s2] =	stream.linear.scatter [tilespmem:s11], [sflag:$0x3], $0x4000, $0x38;
	[tilespmem:$0x1D300] =	vst v63  }
0xc9: {  	_ =	swait.ge [sflag:s0], $0x4000  }
0xca: {  	[sflag:s0] =	ssyncset.done $0x0  }
0xcb: {  	[sflag:s0] =	ssyncadd.s32 $0xFFFFC000  }
0xcc: {  	[tilespmem:s3], [sflag:$0x3] =	stream.linear.gather [spmem:s28], $0x80, $0x38;
	[tilespmem:$0x1D300] =	vst v63  }
0xcd: {  	_ =	swait.ge [sflag:s0], $0x80  }
0xce: {  	[sflag:s0] =	ssyncset.done $0x0  }
0xcf: {  	s10 =	rddreg [dreg:$0xc];
	[sflag:s0] =	ssyncadd.s32 $0xFFFFFF80  }
0xd0: {  	[hbm4b:s10+s2] =	stream.linear.scatter [tilespmem:s3], [sflag:$0x3], $0x80, $0x38;
	[tilespmem:$0x1D300] =	vst v63  }
0xd1: {  	_ =	swait.ge [sflag:s0], $0x80  }
0xd2: {  	[sflag:s0] =	ssyncset.done $0x0  }
0xd3: {  	[sflag:s0] =	ssyncadd.s32 $0xFFFFFF80  }
0xd4: {  	[tilespmem:s11], [sflag:$0x3] =	stream.linear.gather [spmem:s29], $0x4000, $0x38;
	[tilespmem:$0x1D300] =	vst v63  }
0xd5: {  	_ =	swait.ge [sflag:s0], $0x4000  }
0xd6: {  	[sflag:s0] =	ssyncset.done $0x0  }
0xd7: {  	s13 =	rddreg [dreg:$0xb];
	[sflag:s0] =	ssyncadd.s32 $0xFFFFC000  }
0xd8: {  	[hbm4b:s13+s2] =	stream.linear.scatter [tilespmem:s11], [sflag:$0x3], $0x4000, $0x38;
	[tilespmem:$0x1D300] =	vst v63  }
0xd9: {  	_ =	swait.ge [sflag:s0], $0x4000  }
0xda: {  	[sflag:s0] =	ssyncset.done $0x0  }
0xdb: {  	[sflag:s0] =	ssyncadd.s32 $0xFFFFC000  }
0xdc: {  	[tilespmem:s3], [sflag:$0x3] =	stream.linear.gather [spmem:s30], $0x80, $0x38;
	[tilespmem:$0x1D300] =	vst v63  }
0xdd: {  	s7 =	sadd.s32 $0x1, s7;
	_ =	swait.ge [sflag:s0], $0x80  }
0xde: {  	p0 =	sne.s32 s7, s31;
	[sflag:s0] =	ssyncset.done $0x0  }
.Ltmp1:
0xdf: {  	s14 =	rddreg [dreg:$0xd];
	[sflag:s0] =	ssyncadd.s32 $0xFFFFFF80;
	(pc) =	sbr.rel @p0 .LBB2_1-.Ltmp1, $4  }
0xe0: {  	[hbm4b:s14+s2] =	stream.linear.scatter [tilespmem:s3], [sflag:$0x3], $0x80, $0x38;
	[tilespmem:$0x1D300] =	vst v63  }
0xe1: {  	_ =	swait.ge [sflag:s0], $0x80  }
0xe2: {  	[sflag:s0] =	ssyncset.done $0x0  }
0xe3: {  	[sflag:s0] =	ssyncadd.s32 $0xFFFFFF80  }
0xe4: {  	_ =	sfence.sel $0x180000  }
0xe5: {  	[bflag:$0x0] =	sbarrier.arrive $0xFFFF  }
0xe6: {  	_ =	strace $0x9000004A  }
0xe7: {  	s0 =	stileid.u32;
	[bflag:$0x2] =	sbarrier.arrive $0xFFFF  }
0xe8: {  	p0 =	sne.s32 s0, $0x0;
	s0 =	rddreg [dreg:$0x3]  }
0xe9: {  	s0 =	sadd.s32 @!p0 $0x100000, s0  }
0xea: {  	[sflag:s0] =	ssyncadd.tile.s32 @!p0 $0x1;
	_ =	shalt  }
.Lfunc_end2:
_tile_overlayer_lowered:
.L_overlay_start_2:
0xeb: {  	(tag) =	ssettag $0x2  }
0xec: {  	s0 =	rddreg [dreg:$0x0];
	s2 =	stileid.u32  }
0xed: {  	s1 =	rddreg [dreg:$0x1];
	p0 =	sne.s32 s2, $0x0  }
0xee: {  	s3 =	rddreg [dreg:$0x2];
	[bflag:$0x3] =	sbarrier.arrive $0xFFFF;
	s2 =	simm.s32 @!p0 $0x1C03  }
0xef: {  	[timem:s3], [sflag:s2] =	dma.local @!p0 [hbm:s0], s1  }
0xf0: {  	s0 =	simm.s32 @!p0 $0x3  }
0xf1: {  	_ =	swait.ge @!p0 [sflag:s0], s1  }
0xf2: {  	s1 =	ssub.s32 @!p0 $0x0, s1;
	[sflag:s0] =	ssyncset.done @!p0 $0x0  }
0xf3: {  	[sflag:s0] =	ssyncadd.s32 @!p0 s1  }
0xf4: {  	[bflag:$0x3] =	sbarrier.arrive $0xFFFF  }
0xf5: {  	_ =	shalt  }

</sc_bundles>
